<compile_context>
chip_gen: v7x
topology: tpu7x:2x2x1
jax: 0.10.2.dev20260603
libtpu: 0.0.44.dev20260713+nightly
codegen_flags: <defaults>
</compile_context>

<pallas_src>
import functools

import jax
import jax.numpy as jnp
from jax import lax
from jax.experimental import pallas as pl
from jax.experimental.pallas import tpu as pltpu
from jax.experimental.pallas import tpu_sc as plsc

_D = 32
_NB = 16384
_S = 50
_NW = 32
_RB = _NB // _NW
_P = _RB // 2

_NBUF = 8
_NGROUP = _P // _NBUF


_mesh = plsc.VectorSubcoreMesh(core_axis_name="c", subcore_axis_name="s")


@functools.partial(
    pl.kernel,
    out_type=jax.ShapeDtypeStruct((_NB, _S, _D), jnp.float32),
    mesh=_mesh,
    scratch_types=[
        pltpu.VMEM((_P, 2 * _S), jnp.int32),
        [pltpu.VMEM((2 * _S, _D), jnp.float32) for _ in range(_NBUF)],
        [pltpu.SemaphoreType.DMA for _ in range(_NBUF)],
        [pltpu.SemaphoreType.DMA for _ in range(_NBUF)],
    ],
    compiler_params=pltpu.CompilerParams(use_tc_tiling_on_sc=False),
)
def _gather_kernel(idx_hbm, table_hbm, out_hbm, idx_v, rows, gsem, wsem):
    wid = lax.axis_index("s") * 2 + lax.axis_index("c")
    base = wid * _RB
    pltpu.sync_copy(idx_hbm.at[pl.ds(wid * _P, _P)], idx_v)



    def gather_start(i, b):
        pltpu.async_copy(table_hbm.at[idx_v.at[i]], rows[b], gsem[b])

    def gather_wait(i, b):
        pltpu.make_async_copy(table_hbm.at[idx_v.at[i]], rows[b], gsem[b]).wait()

    def write_start(i, b):
        for h in range(2):
            pltpu.async_copy(
                rows[b].at[pl.ds(h * _S, _S)], out_hbm.at[base + 2 * i + h],
                wsem[b],
            )

    def write_wait(i, b):
        for h in range(2):
            pltpu.make_async_copy(
                rows[b].at[pl.ds(h * _S, _S)], out_hbm.at[base + 2 * i + h],
                wsem[b],
            ).wait()

    for b in range(_NBUF):
        gather_start(b, b)

    def group(g, carry):
        i0 = g * _NBUF
        for b in range(_NBUF):
            gather_wait(i0 + b, b)
            write_start(i0 + b, b)
        @pl.when(g + 1 < _NGROUP)
        def _():
            for b in range(_NBUF):
                write_wait(i0 + b, b)
                gather_start(i0 + _NBUF + b, b)

        return carry

    lax.fori_loop(0, _NGROUP, group, 0)
    for b in range(_NBUF):
        write_wait(_P - _NBUF + b, b)


def kernel(input, embeddings):
    idx2 = input.astype(jnp.int32).reshape(_NB // 2, 2 * _S)
    return _gather_kernel(idx2, embeddings)

# --- scband reference (transcript-rebuilt; emitter-appended) ---
"""Pipeline reference for scband-embedding-29953101922788 (READ-ONLY COPY).

The authoritative reference and input builder live on the scoring server;
editing this copy changes nothing except your own understanding.
"""

import jax, jax.numpy as jnp
import numpy as np

N_WORDS = 1000000
H_DIM = 32

def setup_inputs(seed: int = 0) -> dict:
    key = jax.random.key(seed)
    k_idx, k_emb = jax.random.split(key)
    inp = jax.random.randint(k_idx, (16384, 50), 0, N_WORDS, dtype=jnp.int64)
    embeddings = jax.random.normal(k_emb, (N_WORDS, H_DIM), dtype=jnp.float32) * 0.02
    return {"input": inp, "embeddings": embeddings}

def reference(input, embeddings):
    # Faithful translation of Embedding.forward: self.embeddings[input]
    return jnp.take(embeddings, input, axis=0)

if __name__ == "__main__":
    import jax
    _d = setup_inputs()
    print(jax.jit(kernel)(*tuple(_d.values())))

</pallas_src>

<mosaic_0001>
#map = affine_map<(d0, d1) -> (0, 0)>
#map1 = affine_map<(d0, d1) -> (0, 0, 0)>
module attributes {stable_mosaic.version = 14 : i64} {
  func.func @_gather_kernel(%arg0: i32, %arg1: i32, %arg2: memref<8192x100xi32, #tpu.memory_space<hbm>>, %arg3: memref<1000000x32xf32, #tpu.memory_space<hbm>>, %arg4: memref<16384x50x32xf32, #tpu.memory_space<hbm>>, %arg5: memref<256x100xi32, #tpu.memory_space<vmem>>, %arg6: memref<100x32xf32, #tpu.memory_space<vmem>>, %arg7: memref<100x32xf32, #tpu.memory_space<vmem>>, %arg8: memref<100x32xf32, #tpu.memory_space<vmem>>, %arg9: memref<100x32xf32, #tpu.memory_space<vmem>>, %arg10: memref<100x32xf32, #tpu.memory_space<vmem>>, %arg11: memref<100x32xf32, #tpu.memory_space<vmem>>, %arg12: memref<100x32xf32, #tpu.memory_space<vmem>>, %arg13: memref<100x32xf32, #tpu.memory_space<vmem>>, %arg14: memref<!tpu.dma_semaphore, #tpu.memory_space<semaphore_mem>>, %arg15: memref<!tpu.dma_semaphore, #tpu.memory_space<semaphore_mem>>, %arg16: memref<!tpu.dma_semaphore, #tpu.memory_space<semaphore_mem>>, %arg17: memref<!tpu.dma_semaphore, #tpu.memory_space<semaphore_mem>>, %arg18: memref<!tpu.dma_semaphore, #tpu.memory_space<semaphore_mem>>, %arg19: memref<!tpu.dma_semaphore, #tpu.memory_space<semaphore_mem>>, %arg20: memref<!tpu.dma_semaphore, #tpu.memory_space<semaphore_mem>>, %arg21: memref<!tpu.dma_semaphore, #tpu.memory_space<semaphore_mem>>, %arg22: memref<!tpu.dma_semaphore, #tpu.memory_space<semaphore_mem>>, %arg23: memref<!tpu.dma_semaphore, #tpu.memory_space<semaphore_mem>>, %arg24: memref<!tpu.dma_semaphore, #tpu.memory_space<semaphore_mem>>, %arg25: memref<!tpu.dma_semaphore, #tpu.memory_space<semaphore_mem>>, %arg26: memref<!tpu.dma_semaphore, #tpu.memory_space<semaphore_mem>>, %arg27: memref<!tpu.dma_semaphore, #tpu.memory_space<semaphore_mem>>, %arg28: memref<!tpu.dma_semaphore, #tpu.memory_space<semaphore_mem>>, %arg29: memref<!tpu.dma_semaphore, #tpu.memory_space<semaphore_mem>>) attributes {dimension_semantics = [#tpu.dimension_semantics<core_parallel>, #tpu.dimension_semantics<subcore_parallel>], iteration_bounds = array<i64: 2, 16>, scalar_prefetch = 0 : i64, scratch_operands = 25 : i64, tpu.core_type = #tpu.core_type<sc_vector_subcore>, window_params = [{transform_indices = #map}, {transform_indices = #map}, {transform_indices = #map1}]} {
    %mul3A = arith.constant 2 : i32
    %mul3A_0 = arith.muli %arg1, %mul3A : i32
    %add3A = arith.addi %mul3A_0, %arg0 : i32
    %mul3A_1 = arith.constant 512 : i32
    %mul3A_2 = arith.muli %add3A, %mul3A_1 : i32
    %mul3A_3 = arith.constant 256 : i32
    %mul3A_4 = arith.muli %add3A, %mul3A_3 : i32
    "tpu.region"() ({
      %run_scoped3A = tpu.sem_alloc : memref<!tpu.dma_semaphore, #tpu.memory_space<semaphore_mem>>
      %dma_start3A_352 = arith.constant 0 : i32
      %dma_start3A_353 = tpu.memref_slice %arg2[%mul3A_4, %dma_start3A_352] : memref<8192x100xi32, #tpu.memory_space<hbm>> -> memref<256x100xi32, #tpu.memory_space<hbm>>
      %dma_start3A_354 = arith.constant 0 : i32
      %dma_start3A_355 = tpu.memref_slice %arg2[%mul3A_4, %dma_start3A_354] : memref<8192x100xi32, #tpu.memory_space<hbm>> -> memref<256x100xi32, #tpu.memory_space<hbm>>
      tpu.enqueue_dma source(%dma_start3A_355 : memref<256x100xi32, #tpu.memory_space<hbm>>) target(%arg5 : memref<256x100xi32, #tpu.memory_space<vmem>>) target_semaphore(%run_scoped3A : memref<!tpu.dma_semaphore, #tpu.memory_space<semaphore_mem>>)
      %dma_wait3A_356 = arith.constant 0 : i32
      %dma_wait3A_357 = tpu.memref_slice %arg2[%mul3A_4, %dma_wait3A_356] : memref<8192x100xi32, #tpu.memory_space<hbm>> -> memref<256x100xi32, #tpu.memory_space<hbm>>
      %dma_wait3A_358 = arith.constant 0 : i32
      %dma_wait3A_359 = tpu.memref_slice %arg2[%mul3A_4, %dma_wait3A_358] : memref<8192x100xi32, #tpu.memory_space<hbm>> -> memref<256x100xi32, #tpu.memory_space<hbm>>
      tpu.wait_dma2 semaphore(%run_scoped3A : memref<!tpu.dma_semaphore, #tpu.memory_space<semaphore_mem>>) src(%dma_wait3A_359 : memref<256x100xi32, #tpu.memory_space<hbm>>) dst(%arg5 : memref<256x100xi32, #tpu.memory_space<vmem>>)
      tpu.yield
    }) : () -> ()
    %dma_start3A = arith.constant 0 : i32
    %dma_start3A_5 = arith.constant 0 : i32
    %dma_start3A_6 = tpu.memref_slice %arg5[%dma_start3A, %dma_start3A_5] : memref<256x100xi32, #tpu.memory_space<vmem>> -> memref<1x100xi32, #tpu.memory_space<vmem>>
    %dma_start3A_7 = tpu.memref_squeeze %dma_start3A_6 : memref<1x100xi32, #tpu.memory_space<vmem>> -> memref<100xi32, #tpu.memory_space<vmem>>
    %dma_start3A_8 = arith.constant 0 : i32
    %dma_start3A_9 = arith.constant 0 : i32
    %dma_start3A_10 = tpu.memref_slice %arg3[%dma_start3A_8, %dma_start3A_9] : memref<1000000x32xf32, #tpu.memory_space<hbm>> -> memref<1000000x32xf32, #tpu.memory_space<hbm>>
    tpu.enqueue_indirect_dma source(%dma_start3A_10 : memref<1000000x32xf32, #tpu.memory_space<hbm>>) target(%arg6 : memref<100x32xf32, #tpu.memory_space<vmem>>) offsets(%dma_start3A_7 : memref<100xi32, #tpu.memory_space<vmem>>) semaphore(%arg14 : memref<!tpu.dma_semaphore, #tpu.memory_space<semaphore_mem>>)
    %dma_start3A_11 = arith.constant 1 : i32
    %dma_start3A_12 = arith.constant 0 : i32
    %dma_start3A_13 = tpu.memref_slice %arg5[%dma_start3A_11, %dma_start3A_12] : memref<256x100xi32, #tpu.memory_space<vmem>> -> memref<1x100xi32, #tpu.memory_space<vmem>>
    %dma_start3A_14 = tpu.memref_squeeze %dma_start3A_13 : memref<1x100xi32, #tpu.memory_space<vmem>> -> memref<100xi32, #tpu.memory_space<vmem>>
    %dma_start3A_15 = arith.constant 0 : i32
    %dma_start3A_16 = arith.constant 0 : i32
    %dma_start3A_17 = tpu.memref_slice %arg3[%dma_start3A_15, %dma_start3A_16] : memref<1000000x32xf32, #tpu.memory_space<hbm>> -> memref<1000000x32xf32, #tpu.memory_space<hbm>>
    tpu.enqueue_indirect_dma source(%dma_start3A_17 : memref<1000000x32xf32, #tpu.memory_space<hbm>>) target(%arg7 : memref<100x32xf32, #tpu.memory_space<vmem>>) offsets(%dma_start3A_14 : memref<100xi32, #tpu.memory_space<vmem>>) semaphore(%arg15 : memref<!tpu.dma_semaphore, #tpu.memory_space<semaphore_mem>>)
    %dma_start3A_18 = arith.constant 2 : i32
    %dma_start3A_19 = arith.constant 0 : i32
    %dma_start3A_20 = tpu.memref_slice %arg5[%dma_start3A_18, %dma_start3A_19] : memref<256x100xi32, #tpu.memory_space<vmem>> -> memref<1x100xi32, #tpu.memory_space<vmem>>
    %dma_start3A_21 = tpu.memref_squeeze %dma_start3A_20 : memref<1x100xi32, #tpu.memory_space<vmem>> -> memref<100xi32, #tpu.memory_space<vmem>>
    %dma_start3A_22 = arith.constant 0 : i32
    %dma_start3A_23 = arith.constant 0 : i32
    %dma_start3A_24 = tpu.memref_slice %arg3[%dma_start3A_22, %dma_start3A_23] : memref<1000000x32xf32, #tpu.memory_space<hbm>> -> memref<1000000x32xf32, #tpu.memory_space<hbm>>
    tpu.enqueue_indirect_dma source(%dma_start3A_24 : memref<1000000x32xf32, #tpu.memory_space<hbm>>) target(%arg8 : memref<100x32xf32, #tpu.memory_space<vmem>>) offsets(%dma_start3A_21 : memref<100xi32, #tpu.memory_space<vmem>>) semaphore(%arg16 : memref<!tpu.dma_semaphore, #tpu.memory_space<semaphore_mem>>)
    %dma_start3A_25 = arith.constant 3 : i32
    %dma_start3A_26 = arith.constant 0 : i32
    %dma_start3A_27 = tpu.memref_slice %arg5[%dma_start3A_25, %dma_start3A_26] : memref<256x100xi32, #tpu.memory_space<vmem>> -> memref<1x100xi32, #tpu.memory_space<vmem>>
    %dma_start3A_28 = tpu.memref_squeeze %dma_start3A_27 : memref<1x100xi32, #tpu.memory_space<vmem>> -> memref<100xi32, #tpu.memory_space<vmem>>
    %dma_start3A_29 = arith.constant 0 : i32
    %dma_start3A_30 = arith.constant 0 : i32
    %dma_start3A_31 = tpu.memref_slice %arg3[%dma_start3A_29, %dma_start3A_30] : memref<1000000x32xf32, #tpu.memory_space<hbm>> -> memref<1000000x32xf32, #tpu.memory_space<hbm>>
    tpu.enqueue_indirect_dma source(%dma_start3A_31 : memref<1000000x32xf32, #tpu.memory_space<hbm>>) target(%arg9 : memref<100x32xf32, #tpu.memory_space<vmem>>) offsets(%dma_start3A_28 : memref<100xi32, #tpu.memory_space<vmem>>) semaphore(%arg17 : memref<!tpu.dma_semaphore, #tpu.memory_space<semaphore_mem>>)
    %dma_start3A_32 = arith.constant 4 : i32
    %dma_start3A_33 = arith.constant 0 : i32
    %dma_start3A_34 = tpu.memref_slice %arg5[%dma_start3A_32, %dma_start3A_33] : memref<256x100xi32, #tpu.memory_space<vmem>> -> memref<1x100xi32, #tpu.memory_space<vmem>>
    %dma_start3A_35 = tpu.memref_squeeze %dma_start3A_34 : memref<1x100xi32, #tpu.memory_space<vmem>> -> memref<100xi32, #tpu.memory_space<vmem>>
    %dma_start3A_36 = arith.constant 0 : i32
    %dma_start3A_37 = arith.constant 0 : i32
    %dma_start3A_38 = tpu.memref_slice %arg3[%dma_start3A_36, %dma_start3A_37] : memref<1000000x32xf32, #tpu.memory_space<hbm>> -> memref<1000000x32xf32, #tpu.memory_space<hbm>>
    tpu.enqueue_indirect_dma source(%dma_start3A_38 : memref<1000000x32xf32, #tpu.memory_space<hbm>>) target(%arg10 : memref<100x32xf32, #tpu.memory_space<vmem>>) offsets(%dma_start3A_35 : memref<100xi32, #tpu.memory_space<vmem>>) semaphore(%arg18 : memref<!tpu.dma_semaphore, #tpu.memory_space<semaphore_mem>>)
    %dma_start3A_39 = arith.constant 5 : i32
    %dma_start3A_40 = arith.constant 0 : i32
    %dma_start3A_41 = tpu.memref_slice %arg5[%dma_start3A_39, %dma_start3A_40] : memref<256x100xi32, #tpu.memory_space<vmem>> -> memref<1x100xi32, #tpu.memory_space<vmem>>
    %dma_start3A_42 = tpu.memref_squeeze %dma_start3A_41 : memref<1x100xi32, #tpu.memory_space<vmem>> -> memref<100xi32, #tpu.memory_space<vmem>>
    %dma_start3A_43 = arith.constant 0 : i32
    %dma_start3A_44 = arith.constant 0 : i32
    %dma_start3A_45 = tpu.memref_slice %arg3[%dma_start3A_43, %dma_start3A_44] : memref<1000000x32xf32, #tpu.memory_space<hbm>> -> memref<1000000x32xf32, #tpu.memory_space<hbm>>
    tpu.enqueue_indirect_dma source(%dma_start3A_45 : memref<1000000x32xf32, #tpu.memory_space<hbm>>) target(%arg11 : memref<100x32xf32, #tpu.memory_space<vmem>>) offsets(%dma_start3A_42 : memref<100xi32, #tpu.memory_space<vmem>>) semaphore(%arg19 : memref<!tpu.dma_semaphore, #tpu.memory_space<semaphore_mem>>)
    %dma_start3A_46 = arith.constant 6 : i32
    %dma_start3A_47 = arith.constant 0 : i32
    %dma_start3A_48 = tpu.memref_slice %arg5[%dma_start3A_46, %dma_start3A_47] : memref<256x100xi32, #tpu.memory_space<vmem>> -> memref<1x100xi32, #tpu.memory_space<vmem>>
    %dma_start3A_49 = tpu.memref_squeeze %dma_start3A_48 : memref<1x100xi32, #tpu.memory_space<vmem>> -> memref<100xi32, #tpu.memory_space<vmem>>
    %dma_start3A_50 = arith.constant 0 : i32
    %dma_start3A_51 = arith.constant 0 : i32
    %dma_start3A_52 = tpu.memref_slice %arg3[%dma_start3A_50, %dma_start3A_51] : memref<1000000x32xf32, #tpu.memory_space<hbm>> -> memref<1000000x32xf32, #tpu.memory_space<hbm>>
    tpu.enqueue_indirect_dma source(%dma_start3A_52 : memref<1000000x32xf32, #tpu.memory_space<hbm>>) target(%arg12 : memref<100x32xf32, #tpu.memory_space<vmem>>) offsets(%dma_start3A_49 : memref<100xi32, #tpu.memory_space<vmem>>) semaphore(%arg20 : memref<!tpu.dma_semaphore, #tpu.memory_space<semaphore_mem>>)
    %dma_start3A_53 = arith.constant 7 : i32
    %dma_start3A_54 = arith.constant 0 : i32
    %dma_start3A_55 = tpu.memref_slice %arg5[%dma_start3A_53, %dma_start3A_54] : memref<256x100xi32, #tpu.memory_space<vmem>> -> memref<1x100xi32, #tpu.memory_space<vmem>>
    %dma_start3A_56 = tpu.memref_squeeze %dma_start3A_55 : memref<1x100xi32, #tpu.memory_space<vmem>> -> memref<100xi32, #tpu.memory_space<vmem>>
    %dma_start3A_57 = arith.constant 0 : i32
    %dma_start3A_58 = arith.constant 0 : i32
    %dma_start3A_59 = tpu.memref_slice %arg3[%dma_start3A_57, %dma_start3A_58] : memref<1000000x32xf32, #tpu.memory_space<hbm>> -> memref<1000000x32xf32, #tpu.memory_space<hbm>>
    tpu.enqueue_indirect_dma source(%dma_start3A_59 : memref<1000000x32xf32, #tpu.memory_space<hbm>>) target(%arg13 : memref<100x32xf32, #tpu.memory_space<vmem>>) offsets(%dma_start3A_56 : memref<100xi32, #tpu.memory_space<vmem>>) semaphore(%arg21 : memref<!tpu.dma_semaphore, #tpu.memory_space<semaphore_mem>>)
    %scan3A = arith.constant 0 : i32
    %scan3A_60 = arith.constant 0 : i32
    %scan3A_61 = arith.constant 32 : i32
    %scan3A_62 = arith.addi %scan3A_60, %scan3A_61 : i32
    %scan3A_63 = arith.constant 1 : i32
    scf.for %scan3A_352 = %scan3A_60 to %scan3A_62 step %scan3A_63  : i32 {
      %mul3A_353 = arith.constant 8 : i32
      %mul3A_354 = arith.muli %scan3A_352, %mul3A_353 : i32
      %add3A_355 = arith.constant 0 : i32
      %add3A_356 = arith.addi %mul3A_354, %add3A_355 : i32
      %dma_wait3A_357 = arith.constant 0 : i32
      %dma_wait3A_358 = tpu.memref_slice %arg5[%add3A_356, %dma_wait3A_357] : memref<256x100xi32, #tpu.memory_space<vmem>> -> memref<1x100xi32, #tpu.memory_space<vmem>>
      %dma_wait3A_359 = tpu.memref_squeeze %dma_wait3A_358 : memref<1x100xi32, #tpu.memory_space<vmem>> -> memref<100xi32, #tpu.memory_space<vmem>>
      %dma_wait3A_360 = arith.constant 0 : i32
      %dma_wait3A_361 = arith.constant 0 : i32
      %dma_wait3A_362 = tpu.memref_slice %arg3[%dma_wait3A_360, %dma_wait3A_361] : memref<1000000x32xf32, #tpu.memory_space<hbm>> -> memref<1000000x32xf32, #tpu.memory_space<hbm>>
      tpu.wait_indirect_dma semaphore(%arg14 : memref<!tpu.dma_semaphore, #tpu.memory_space<semaphore_mem>>) src(%dma_wait3A_362 : memref<1000000x32xf32, #tpu.memory_space<hbm>>) dst(%arg6 : memref<100x32xf32, #tpu.memory_space<vmem>>)
      %add3A_363 = arith.constant 0 : i32
      %add3A_364 = arith.addi %mul3A_354, %add3A_363 : i32
      %mul3A_365 = arith.constant 2 : i32
      %mul3A_366 = arith.muli %mul3A_365, %add3A_364 : i32
      %add3A_367 = arith.addi %mul3A_2, %mul3A_366 : i32
      %add3A_368 = arith.constant 0 : i32
      %add3A_369 = arith.addi %add3A_367, %add3A_368 : i32
      %dma_start3A_370 = arith.constant 0 : i32
      %dma_start3A_371 = arith.constant 0 : i32
      %dma_start3A_372 = tpu.memref_slice %arg6[%dma_start3A_370, %dma_start3A_371] : memref<100x32xf32, #tpu.memory_space<vmem>> -> memref<50x32xf32, #tpu.memory_space<vmem>>
      %dma_start3A_373 = arith.constant 0 : i32
      %dma_start3A_374 = arith.constant 0 : i32
      %dma_start3A_375 = tpu.memref_slice %arg4[%add3A_369, %dma_start3A_373, %dma_start3A_374] : memref<16384x50x32xf32, #tpu.memory_space<hbm>> -> memref<1x50x32xf32, #tpu.memory_space<hbm>>
      %dma_start3A_376 = tpu.memref_squeeze %dma_start3A_375 : memref<1x50x32xf32, #tpu.memory_space<hbm>> -> memref<50x32xf32, #tpu.memory_space<hbm>>
      %dma_start3A_377 = arith.constant 0 : i32
      %dma_start3A_378 = arith.constant 0 : i32
      %dma_start3A_379 = tpu.memref_slice %arg4[%add3A_369, %dma_start3A_377, %dma_start3A_378] : memref<16384x50x32xf32, #tpu.memory_space<hbm>> -> memref<1x50x32xf32, #tpu.memory_space<hbm>>
      %dma_start3A_380 = tpu.memref_squeeze %dma_start3A_379 : memref<1x50x32xf32, #tpu.memory_space<hbm>> -> memref<50x32xf32, #tpu.memory_space<hbm>>
      %dma_start3A_381 = arith.constant 0 : i32
      %dma_start3A_382 = arith.constant 0 : i32
      %dma_start3A_383 = tpu.memref_slice %arg6[%dma_start3A_381, %dma_start3A_382] : memref<100x32xf32, #tpu.memory_space<vmem>> -> memref<50x32xf32, #tpu.memory_space<vmem>>
      tpu.enqueue_dma source(%dma_start3A_383 : memref<50x32xf32, #tpu.memory_space<vmem>>) target(%dma_start3A_380 : memref<50x32xf32, #tpu.memory_space<hbm>>) target_semaphore(%arg22 : memref<!tpu.dma_semaphore, #tpu.memory_space<semaphore_mem>>)
      %mul3A_384 = arith.constant 2 : i32
      %mul3A_385 = arith.muli %mul3A_384, %add3A_364 : i32
      %add3A_386 = arith.addi %mul3A_2, %mul3A_385 : i32
      %add3A_387 = arith.constant 1 : i32
      %add3A_388 = arith.addi %add3A_386, %add3A_387 : i32
      %dma_start3A_389 = arith.constant 50 : i32
      %dma_start3A_390 = arith.constant 0 : i32
      %dma_start3A_391 = tpu.memref_slice %arg6[%dma_start3A_389, %dma_start3A_390] : memref<100x32xf32, #tpu.memory_space<vmem>> -> memref<50x32xf32, #tpu.memory_space<vmem>>
      %dma_start3A_392 = arith.constant 0 : i32
      %dma_start3A_393 = arith.constant 0 : i32
      %dma_start3A_394 = tpu.memref_slice %arg4[%add3A_388, %dma_start3A_392, %dma_start3A_393] : memref<16384x50x32xf32, #tpu.memory_space<hbm>> -> memref<1x50x32xf32, #tpu.memory_space<hbm>>
      %dma_start3A_395 = tpu.memref_squeeze %dma_start3A_394 : memref<1x50x32xf32, #tpu.memory_space<hbm>> -> memref<50x32xf32, #tpu.memory_space<hbm>>
      %dma_start3A_396 = arith.constant 0 : i32
      %dma_start3A_397 = arith.constant 0 : i32
      %dma_start3A_398 = tpu.memref_slice %arg4[%add3A_388, %dma_start3A_396, %dma_start3A_397] : memref<16384x50x32xf32, #tpu.memory_space<hbm>> -> memref<1x50x32xf32, #tpu.memory_space<hbm>>
      %dma_start3A_399 = tpu.memref_squeeze %dma_start3A_398 : memref<1x50x32xf32, #tpu.memory_space<hbm>> -> memref<50x32xf32, #tpu.memory_space<hbm>>
      %dma_start3A_400 = arith.constant 50 : i32
      %dma_start3A_401 = arith.constant 0 : i32
      %dma_start3A_402 = tpu.memref_slice %arg6[%dma_start3A_400, %dma_start3A_401] : memref<100x32xf32, #tpu.memory_space<vmem>> -> memref<50x32xf32, #tpu.memory_space<vmem>>
      tpu.enqueue_dma source(%dma_start3A_402 : memref<50x32xf32, #tpu.memory_space<vmem>>) target(%dma_start3A_399 : memref<50x32xf32, #tpu.memory_space<hbm>>) target_semaphore(%arg22 : memref<!tpu.dma_semaphore, #tpu.memory_space<semaphore_mem>>)
      %add3A_403 = arith.constant 1 : i32
      %add3A_404 = arith.addi %mul3A_354, %add3A_403 : i32
      %dma_wait3A_405 = arith.constant 0 : i32
      %dma_wait3A_406 = tpu.memref_slice %arg5[%add3A_404, %dma_wait3A_405] : memref<256x100xi32, #tpu.memory_space<vmem>> -> memref<1x100xi32, #tpu.memory_space<vmem>>
      %dma_wait3A_407 = tpu.memref_squeeze %dma_wait3A_406 : memref<1x100xi32, #tpu.memory_space<vmem>> -> memref<100xi32, #tpu.memory_space<vmem>>
      %dma_wait3A_408 = arith.constant 0 : i32
      %dma_wait3A_409 = arith.constant 0 : i32
      %dma_wait3A_410 = tpu.memref_slice %arg3[%dma_wait3A_408, %dma_wait3A_409] : memref<1000000x32xf32, #tpu.memory_space<hbm>> -> memref<1000000x32xf32, #tpu.memory_space<hbm>>
      tpu.wait_indirect_dma semaphore(%arg15 : memref<!tpu.dma_semaphore, #tpu.memory_space<semaphore_mem>>) src(%dma_wait3A_410 : memref<1000000x32xf32, #tpu.memory_space<hbm>>) dst(%arg7 : memref<100x32xf32, #tpu.memory_space<vmem>>)
      %add3A_411 = arith.constant 1 : i32
      %add3A_412 = arith.addi %mul3A_354, %add3A_411 : i32
      %mul3A_413 = arith.constant 2 : i32
      %mul3A_414 = arith.muli %mul3A_413, %add3A_412 : i32
      %add3A_415 = arith.addi %mul3A_2, %mul3A_414 : i32
      %add3A_416 = arith.constant 0 : i32
      %add3A_417 = arith.addi %add3A_415, %add3A_416 : i32
      %dma_start3A_418 = arith.constant 0 : i32
      %dma_start3A_419 = arith.constant 0 : i32
      %dma_start3A_420 = tpu.memref_slice %arg7[%dma_start3A_418, %dma_start3A_419] : memref<100x32xf32, #tpu.memory_space<vmem>> -> memref<50x32xf32, #tpu.memory_space<vmem>>
      %dma_start3A_421 = arith.constant 0 : i32
      %dma_start3A_422 = arith.constant 0 : i32
      %dma_start3A_423 = tpu.memref_slice %arg4[%add3A_417, %dma_start3A_421, %dma_start3A_422] : memref<16384x50x32xf32, #tpu.memory_space<hbm>> -> memref<1x50x32xf32, #tpu.memory_space<hbm>>
      %dma_start3A_424 = tpu.memref_squeeze %dma_start3A_423 : memref<1x50x32xf32, #tpu.memory_space<hbm>> -> memref<50x32xf32, #tpu.memory_space<hbm>>
      %dma_start3A_425 = arith.constant 0 : i32
      %dma_start3A_426 = arith.constant 0 : i32
      %dma_start3A_427 = tpu.memref_slice %arg4[%add3A_417, %dma_start3A_425, %dma_start3A_426] : memref<16384x50x32xf32, #tpu.memory_space<hbm>> -> memref<1x50x32xf32, #tpu.memory_space<hbm>>
      %dma_start3A_428 = tpu.memref_squeeze %dma_start3A_427 : memref<1x50x32xf32, #tpu.memory_space<hbm>> -> memref<50x32xf32, #tpu.memory_space<hbm>>
      %dma_start3A_429 = arith.constant 0 : i32
      %dma_start3A_430 = arith.constant 0 : i32
      %dma_start3A_431 = tpu.memref_slice %arg7[%dma_start3A_429, %dma_start3A_430] : memref<100x32xf32, #tpu.memory_space<vmem>> -> memref<50x32xf32, #tpu.memory_space<vmem>>
      tpu.enqueue_dma source(%dma_start3A_431 : memref<50x32xf32, #tpu.memory_space<vmem>>) target(%dma_start3A_428 : memref<50x32xf32, #tpu.memory_space<hbm>>) target_semaphore(%arg23 : memref<!tpu.dma_semaphore, #tpu.memory_space<semaphore_mem>>)
      %mul3A_432 = arith.constant 2 : i32
      %mul3A_433 = arith.muli %mul3A_432, %add3A_412 : i32
      %add3A_434 = arith.addi %mul3A_2, %mul3A_433 : i32
      %add3A_435 = arith.constant 1 : i32
      %add3A_436 = arith.addi %add3A_434, %add3A_435 : i32
      %dma_start3A_437 = arith.constant 50 : i32
      %dma_start3A_438 = arith.constant 0 : i32
      %dma_start3A_439 = tpu.memref_slice %arg7[%dma_start3A_437, %dma_start3A_438] : memref<100x32xf32, #tpu.memory_space<vmem>> -> memref<50x32xf32, #tpu.memory_space<vmem>>
      %dma_start3A_440 = arith.constant 0 : i32
      %dma_start3A_441 = arith.constant 0 : i32
      %dma_start3A_442 = tpu.memref_slice %arg4[%add3A_436, %dma_start3A_440, %dma_start3A_441] : memref<16384x50x32xf32, #tpu.memory_space<hbm>> -> memref<1x50x32xf32, #tpu.memory_space<hbm>>
      %dma_start3A_443 = tpu.memref_squeeze %dma_start3A_442 : memref<1x50x32xf32, #tpu.memory_space<hbm>> -> memref<50x32xf32, #tpu.memory_space<hbm>>
      %dma_start3A_444 = arith.constant 0 : i32
      %dma_start3A_445 = arith.constant 0 : i32
      %dma_start3A_446 = tpu.memref_slice %arg4[%add3A_436, %dma_start3A_444, %dma_start3A_445] : memref<16384x50x32xf32, #tpu.memory_space<hbm>> -> memref<1x50x32xf32, #tpu.memory_space<hbm>>
      %dma_start3A_447 = tpu.memref_squeeze %dma_start3A_446 : memref<1x50x32xf32, #tpu.memory_space<hbm>> -> memref<50x32xf32, #tpu.memory_space<hbm>>
      %dma_start3A_448 = arith.constant 50 : i32
      %dma_start3A_449 = arith.constant 0 : i32
      %dma_start3A_450 = tpu.memref_slice %arg7[%dma_start3A_448, %dma_start3A_449] : memref<100x32xf32, #tpu.memory_space<vmem>> -> memref<50x32xf32, #tpu.memory_space<vmem>>
      tpu.enqueue_dma source(%dma_start3A_450 : memref<50x32xf32, #tpu.memory_space<vmem>>) target(%dma_start3A_447 : memref<50x32xf32, #tpu.memory_space<hbm>>) target_semaphore(%arg23 : memref<!tpu.dma_semaphore, #tpu.memory_space<semaphore_mem>>)
      %add3A_451 = arith.constant 2 : i32
      %add3A_452 = arith.addi %mul3A_354, %add3A_451 : i32
      %dma_wait3A_453 = arith.constant 0 : i32
      %dma_wait3A_454 = tpu.memref_slice %arg5[%add3A_452, %dma_wait3A_453] : memref<256x100xi32, #tpu.memory_space<vmem>> -> memref<1x100xi32, #tpu.memory_space<vmem>>
      %dma_wait3A_455 = tpu.memref_squeeze %dma_wait3A_454 : memref<1x100xi32, #tpu.memory_space<vmem>> -> memref<100xi32, #tpu.memory_space<vmem>>
      %dma_wait3A_456 = arith.constant 0 : i32
      %dma_wait3A_457 = arith.constant 0 : i32
      %dma_wait3A_458 = tpu.memref_slice %arg3[%dma_wait3A_456, %dma_wait3A_457] : memref<1000000x32xf32, #tpu.memory_space<hbm>> -> memref<1000000x32xf32, #tpu.memory_space<hbm>>
      tpu.wait_indirect_dma semaphore(%arg16 : memref<!tpu.dma_semaphore, #tpu.memory_space<semaphore_mem>>) src(%dma_wait3A_458 : memref<1000000x32xf32, #tpu.memory_space<hbm>>) dst(%arg8 : memref<100x32xf32, #tpu.memory_space<vmem>>)
      %add3A_459 = arith.constant 2 : i32
      %add3A_460 = arith.addi %mul3A_354, %add3A_459 : i32
      %mul3A_461 = arith.constant 2 : i32
      %mul3A_462 = arith.muli %mul3A_461, %add3A_460 : i32
      %add3A_463 = arith.addi %mul3A_2, %mul3A_462 : i32
      %add3A_464 = arith.constant 0 : i32
      %add3A_465 = arith.addi %add3A_463, %add3A_464 : i32
      %dma_start3A_466 = arith.constant 0 : i32
      %dma_start3A_467 = arith.constant 0 : i32
      %dma_start3A_468 = tpu.memref_slice %arg8[%dma_start3A_466, %dma_start3A_467] : memref<100x32xf32, #tpu.memory_space<vmem>> -> memref<50x32xf32, #tpu.memory_space<vmem>>
      %dma_start3A_469 = arith.constant 0 : i32
      %dma_start3A_470 = arith.constant 0 : i32
      %dma_start3A_471 = tpu.memref_slice %arg4[%add3A_465, %dma_start3A_469, %dma_start3A_470] : memref<16384x50x32xf32, #tpu.memory_space<hbm>> -> memref<1x50x32xf32, #tpu.memory_space<hbm>>
      %dma_start3A_472 = tpu.memref_squeeze %dma_start3A_471 : memref<1x50x32xf32, #tpu.memory_space<hbm>> -> memref<50x32xf32, #tpu.memory_space<hbm>>
      %dma_start3A_473 = arith.constant 0 : i32
      %dma_start3A_474 = arith.constant 0 : i32
      %dma_start3A_475 = tpu.memref_slice %arg4[%add3A_465, %dma_start3A_473, %dma_start3A_474] : memref<16384x50x32xf32, #tpu.memory_space<hbm>> -> memref<1x50x32xf32, #tpu.memory_space<hbm>>
      %dma_start3A_476 = tpu.memref_squeeze %dma_start3A_475 : memref<1x50x32xf32, #tpu.memory_space<hbm>> -> memref<50x32xf32, #tpu.memory_space<hbm>>
      %dma_start3A_477 = arith.constant 0 : i32
      %dma_start3A_478 = arith.constant 0 : i32
      %dma_start3A_479 = tpu.memref_slice %arg8[%dma_start3A_477, %dma_start3A_478] : memref<100x32xf32, #tpu.memory_space<vmem>> -> memref<50x32xf32, #tpu.memory_space<vmem>>
      tpu.enqueue_dma source(%dma_start3A_479 : memref<50x32xf32, #tpu.memory_space<vmem>>) target(%dma_start3A_476 : memref<50x32xf32, #tpu.memory_space<hbm>>) target_semaphore(%arg24 : memref<!tpu.dma_semaphore, #tpu.memory_space<semaphore_mem>>)
      %mul3A_480 = arith.constant 2 : i32
      %mul3A_481 = arith.muli %mul3A_480, %add3A_460 : i32
      %add3A_482 = arith.addi %mul3A_2, %mul3A_481 : i32
      %add3A_483 = arith.constant 1 : i32
      %add3A_484 = arith.addi %add3A_482, %add3A_483 : i32
      %dma_start3A_485 = arith.constant 50 : i32
      %dma_start3A_486 = arith.constant 0 : i32
      %dma_start3A_487 = tpu.memref_slice %arg8[%dma_start3A_485, %dma_start3A_486] : memref<100x32xf32, #tpu.memory_space<vmem>> -> memref<50x32xf32, #tpu.memory_space<vmem>>
      %dma_start3A_488 = arith.constant 0 : i32
      %dma_start3A_489 = arith.constant 0 : i32
      %dma_start3A_490 = tpu.memref_slice %arg4[%add3A_484, %dma_start3A_488, %dma_start3A_489] : memref<16384x50x32xf32, #tpu.memory_space<hbm>> -> memref<1x50x32xf32, #tpu.memory_space<hbm>>
      %dma_start3A_491 = tpu.memref_squeeze %dma_start3A_490 : memref<1x50x32xf32, #tpu.memory_space<hbm>> -> memref<50x32xf32, #tpu.memory_space<hbm>>
      %dma_start3A_492 = arith.constant 0 : i32
      %dma_start3A_493 = arith.constant 0 : i32
      %dma_start3A_494 = tpu.memref_slice %arg4[%add3A_484, %dma_start3A_492, %dma_start3A_493] : memref<16384x50x32xf32, #tpu.memory_space<hbm>> -> memref<1x50x32xf32, #tpu.memory_space<hbm>>
      %dma_start3A_495 = tpu.memref_squeeze %dma_start3A_494 : memref<1x50x32xf32, #tpu.memory_space<hbm>> -> memref<50x32xf32, #tpu.memory_space<hbm>>
      %dma_start3A_496 = arith.constant 50 : i32
      %dma_start3A_497 = arith.constant 0 : i32
      %dma_start3A_498 = tpu.memref_slice %arg8[%dma_start3A_496, %dma_start3A_497] : memref<100x32xf32, #tpu.memory_space<vmem>> -> memref<50x32xf32, #tpu.memory_space<vmem>>
      tpu.enqueue_dma source(%dma_start3A_498 : memref<50x32xf32, #tpu.memory_space<vmem>>) target(%dma_start3A_495 : memref<50x32xf32, #tpu.memory_space<hbm>>) target_semaphore(%arg24 : memref<!tpu.dma_semaphore, #tpu.memory_space<semaphore_mem>>)
      %add3A_499 = arith.constant 3 : i32
      %add3A_500 = arith.addi %mul3A_354, %add3A_499 : i32
      %dma_wait3A_501 = arith.constant 0 : i32
      %dma_wait3A_502 = tpu.memref_slice %arg5[%add3A_500, %dma_wait3A_501] : memref<256x100xi32, #tpu.memory_space<vmem>> -> memref<1x100xi32, #tpu.memory_space<vmem>>
      %dma_wait3A_503 = tpu.memref_squeeze %dma_wait3A_502 : memref<1x100xi32, #tpu.memory_space<vmem>> -> memref<100xi32, #tpu.memory_space<vmem>>
      %dma_wait3A_504 = arith.constant 0 : i32
      %dma_wait3A_505 = arith.constant 0 : i32
      %dma_wait3A_506 = tpu.memref_slice %arg3[%dma_wait3A_504, %dma_wait3A_505] : memref<1000000x32xf32, #tpu.memory_space<hbm>> -> memref<1000000x32xf32, #tpu.memory_space<hbm>>
      tpu.wait_indirect_dma semaphore(%arg17 : memref<!tpu.dma_semaphore, #tpu.memory_space<semaphore_mem>>) src(%dma_wait3A_506 : memref<1000000x32xf32, #tpu.memory_space<hbm>>) dst(%arg9 : memref<100x32xf32, #tpu.memory_space<vmem>>)
      %add3A_507 = arith.constant 3 : i32
      %add3A_508 = arith.addi %mul3A_354, %add3A_507 : i32
      %mul3A_509 = arith.constant 2 : i32
      %mul3A_510 = arith.muli %mul3A_509, %add3A_508 : i32
      %add3A_511 = arith.addi %mul3A_2, %mul3A_510 : i32
      %add3A_512 = arith.constant 0 : i32
      %add3A_513 = arith.addi %add3A_511, %add3A_512 : i32
      %dma_start3A_514 = arith.constant 0 : i32
      %dma_start3A_515 = arith.constant 0 : i32
      %dma_start3A_516 = tpu.memref_slice %arg9[%dma_start3A_514, %dma_start3A_515] : memref<100x32xf32, #tpu.memory_space<vmem>> -> memref<50x32xf32, #tpu.memory_space<vmem>>
      %dma_start3A_517 = arith.constant 0 : i32
      %dma_start3A_518 = arith.constant 0 : i32
      %dma_start3A_519 = tpu.memref_slice %arg4[%add3A_513, %dma_start3A_517, %dma_start3A_518] : memref<16384x50x32xf32, #tpu.memory_space<hbm>> -> memref<1x50x32xf32, #tpu.memory_space<hbm>>
      %dma_start3A_520 = tpu.memref_squeeze %dma_start3A_519 : memref<1x50x32xf32, #tpu.memory_space<hbm>> -> memref<50x32xf32, #tpu.memory_space<hbm>>
      %dma_start3A_521 = arith.constant 0 : i32
      %dma_start3A_522 = arith.constant 0 : i32
      %dma_start3A_523 = tpu.memref_slice %arg4[%add3A_513, %dma_start3A_521, %dma_start3A_522] : memref<16384x50x32xf32, #tpu.memory_space<hbm>> -> memref<1x50x32xf32, #tpu.memory_space<hbm>>
      %dma_start3A_524 = tpu.memref_squeeze %dma_start3A_523 : memref<1x50x32xf32, #tpu.memory_space<hbm>> -> memref<50x32xf32, #tpu.memory_space<hbm>>
      %dma_start3A_525 = arith.constant 0 : i32
      %dma_start3A_526 = arith.constant 0 : i32
      %dma_start3A_527 = tpu.memref_slice %arg9[%dma_start3A_525, %dma_start3A_526] : memref<100x32xf32, #tpu.memory_space<vmem>> -> memref<50x32xf32, #tpu.memory_space<vmem>>
      tpu.enqueue_dma source(%dma_start3A_527 : memref<50x32xf32, #tpu.memory_space<vmem>>) target(%dma_start3A_524 : memref<50x32xf32, #tpu.memory_space<hbm>>) target_semaphore(%arg25 : memref<!tpu.dma_semaphore, #tpu.memory_space<semaphore_mem>>)
      %mul3A_528 = arith.constant 2 : i32
      %mul3A_529 = arith.muli %mul3A_528, %add3A_508 : i32
      %add3A_530 = arith.addi %mul3A_2, %mul3A_529 : i32
      %add3A_531 = arith.constant 1 : i32
      %add3A_532 = arith.addi %add3A_530, %add3A_531 : i32
      %dma_start3A_533 = arith.constant 50 : i32
      %dma_start3A_534 = arith.constant 0 : i32
      %dma_start3A_535 = tpu.memref_slice %arg9[%dma_start3A_533, %dma_start3A_534] : memref<100x32xf32, #tpu.memory_space<vmem>> -> memref<50x32xf32, #tpu.memory_space<vmem>>
      %dma_start3A_536 = arith.constant 0 : i32
      %dma_start3A_537 = arith.constant 0 : i32
      %dma_start3A_538 = tpu.memref_slice %arg4[%add3A_532, %dma_start3A_536, %dma_start3A_537] : memref<16384x50x32xf32, #tpu.memory_space<hbm>> -> memref<1x50x32xf32, #tpu.memory_space<hbm>>
      %dma_start3A_539 = tpu.memref_squeeze %dma_start3A_538 : memref<1x50x32xf32, #tpu.memory_space<hbm>> -> memref<50x32xf32, #tpu.memory_space<hbm>>
      %dma_start3A_540 = arith.constant 0 : i32
      %dma_start3A_541 = arith.constant 0 : i32
      %dma_start3A_542 = tpu.memref_slice %arg4[%add3A_532, %dma_start3A_540, %dma_start3A_541] : memref<16384x50x32xf32, #tpu.memory_space<hbm>> -> memref<1x50x32xf32, #tpu.memory_space<hbm>>
      %dma_start3A_543 = tpu.memref_squeeze %dma_start3A_542 : memref<1x50x32xf32, #tpu.memory_space<hbm>> -> memref<50x32xf32, #tpu.memory_space<hbm>>
      %dma_start3A_544 = arith.constant 50 : i32
      %dma_start3A_545 = arith.constant 0 : i32
      %dma_start3A_546 = tpu.memref_slice %arg9[%dma_start3A_544, %dma_start3A_545] : memref<100x32xf32, #tpu.memory_space<vmem>> -> memref<50x32xf32, #tpu.memory_space<vmem>>
      tpu.enqueue_dma source(%dma_start3A_546 : memref<50x32xf32, #tpu.memory_space<vmem>>) target(%dma_start3A_543 : memref<50x32xf32, #tpu.memory_space<hbm>>) target_semaphore(%arg25 : memref<!tpu.dma_semaphore, #tpu.memory_space<semaphore_mem>>)
      %add3A_547 = arith.constant 4 : i32
      %add3A_548 = arith.addi %mul3A_354, %add3A_547 : i32
      %dma_wait3A_549 = arith.constant 0 : i32
      %dma_wait3A_550 = tpu.memref_slice %arg5[%add3A_548, %dma_wait3A_549] : memref<256x100xi32, #tpu.memory_space<vmem>> -> memref<1x100xi32, #tpu.memory_space<vmem>>
      %dma_wait3A_551 = tpu.memref_squeeze %dma_wait3A_550 : memref<1x100xi32, #tpu.memory_space<vmem>> -> memref<100xi32, #tpu.memory_space<vmem>>
      %dma_wait3A_552 = arith.constant 0 : i32
      %dma_wait3A_553 = arith.constant 0 : i32
      %dma_wait3A_554 = tpu.memref_slice %arg3[%dma_wait3A_552, %dma_wait3A_553] : memref<1000000x32xf32, #tpu.memory_space<hbm>> -> memref<1000000x32xf32, #tpu.memory_space<hbm>>
      tpu.wait_indirect_dma semaphore(%arg18 : memref<!tpu.dma_semaphore, #tpu.memory_space<semaphore_mem>>) src(%dma_wait3A_554 : memref<1000000x32xf32, #tpu.memory_space<hbm>>) dst(%arg10 : memref<100x32xf32, #tpu.memory_space<vmem>>)
      %add3A_555 = arith.constant 4 : i32
      %add3A_556 = arith.addi %mul3A_354, %add3A_555 : i32
      %mul3A_557 = arith.constant 2 : i32
      %mul3A_558 = arith.muli %mul3A_557, %add3A_556 : i32
      %add3A_559 = arith.addi %mul3A_2, %mul3A_558 : i32
      %add3A_560 = arith.constant 0 : i32
      %add3A_561 = arith.addi %add3A_559, %add3A_560 : i32
      %dma_start3A_562 = arith.constant 0 : i32
      %dma_start3A_563 = arith.constant 0 : i32
      %dma_start3A_564 = tpu.memref_slice %arg10[%dma_start3A_562, %dma_start3A_563] : memref<100x32xf32, #tpu.memory_space<vmem>> -> memref<50x32xf32, #tpu.memory_space<vmem>>
      %dma_start3A_565 = arith.constant 0 : i32
      %dma_start3A_566 = arith.constant 0 : i32
      %dma_start3A_567 = tpu.memref_slice %arg4[%add3A_561, %dma_start3A_565, %dma_start3A_566] : memref<16384x50x32xf32, #tpu.memory_space<hbm>> -> memref<1x50x32xf32, #tpu.memory_space<hbm>>
      %dma_start3A_568 = tpu.memref_squeeze %dma_start3A_567 : memref<1x50x32xf32, #tpu.memory_space<hbm>> -> memref<50x32xf32, #tpu.memory_space<hbm>>
      %dma_start3A_569 = arith.constant 0 : i32
      %dma_start3A_570 = arith.constant 0 : i32
      %dma_start3A_571 = tpu.memref_slice %arg4[%add3A_561, %dma_start3A_569, %dma_start3A_570] : memref<16384x50x32xf32, #tpu.memory_space<hbm>> -> memref<1x50x32xf32, #tpu.memory_space<hbm>>
      %dma_start3A_572 = tpu.memref_squeeze %dma_start3A_571 : memref<1x50x32xf32, #tpu.memory_space<hbm>> -> memref<50x32xf32, #tpu.memory_space<hbm>>
      %dma_start3A_573 = arith.constant 0 : i32
      %dma_start3A_574 = arith.constant 0 : i32
      %dma_start3A_575 = tpu.memref_slice %arg10[%dma_start3A_573, %dma_start3A_574] : memref<100x32xf32, #tpu.memory_space<vmem>> -> memref<50x32xf32, #tpu.memory_space<vmem>>
      tpu.enqueue_dma source(%dma_start3A_575 : memref<50x32xf32, #tpu.memory_space<vmem>>) target(%dma_start3A_572 : memref<50x32xf32, #tpu.memory_space<hbm>>) target_semaphore(%arg26 : memref<!tpu.dma_semaphore, #tpu.memory_space<semaphore_mem>>)
      %mul3A_576 = arith.constant 2 : i32
      %mul3A_577 = arith.muli %mul3A_576, %add3A_556 : i32
      %add3A_578 = arith.addi %mul3A_2, %mul3A_577 : i32
      %add3A_579 = arith.constant 1 : i32
      %add3A_580 = arith.addi %add3A_578, %add3A_579 : i32
      %dma_start3A_581 = arith.constant 50 : i32
      %dma_start3A_582 = arith.constant 0 : i32
      %dma_start3A_583 = tpu.memref_slice %arg10[%dma_start3A_581, %dma_start3A_582] : memref<100x32xf32, #tpu.memory_space<vmem>> -> memref<50x32xf32, #tpu.memory_space<vmem>>
      %dma_start3A_584 = arith.constant 0 : i32
      %dma_start3A_585 = arith.constant 0 : i32
      %dma_start3A_586 = tpu.memref_slice %arg4[%add3A_580, %dma_start3A_584, %dma_start3A_585] : memref<16384x50x32xf32, #tpu.memory_space<hbm>> -> memref<1x50x32xf32, #tpu.memory_space<hbm>>
      %dma_start3A_587 = tpu.memref_squeeze %dma_start3A_586 : memref<1x50x32xf32, #tpu.memory_space<hbm>> -> memref<50x32xf32, #tpu.memory_space<hbm>>
      %dma_start3A_588 = arith.constant 0 : i32
      %dma_start3A_589 = arith.constant 0 : i32
      %dma_start3A_590 = tpu.memref_slice %arg4[%add3A_580, %dma_start3A_588, %dma_start3A_589] : memref<16384x50x32xf32, #tpu.memory_space<hbm>> -> memref<1x50x32xf32, #tpu.memory_space<hbm>>
      %dma_start3A_591 = tpu.memref_squeeze %dma_start3A_590 : memref<1x50x32xf32, #tpu.memory_space<hbm>> -> memref<50x32xf32, #tpu.memory_space<hbm>>
      %dma_start3A_592 = arith.constant 50 : i32
      %dma_start3A_593 = arith.constant 0 : i32
      %dma_start3A_594 = tpu.memref_slice %arg10[%dma_start3A_592, %dma_start3A_593] : memref<100x32xf32, #tpu.memory_space<vmem>> -> memref<50x32xf32, #tpu.memory_space<vmem>>
      tpu.enqueue_dma source(%dma_start3A_594 : memref<50x32xf32, #tpu.memory_space<vmem>>) target(%dma_start3A_591 : memref<50x32xf32, #tpu.memory_space<hbm>>) target_semaphore(%arg26 : memref<!tpu.dma_semaphore, #tpu.memory_space<semaphore_mem>>)
      %add3A_595 = arith.constant 5 : i32
      %add3A_596 = arith.addi %mul3A_354, %add3A_595 : i32
      %dma_wait3A_597 = arith.constant 0 : i32
      %dma_wait3A_598 = tpu.memref_slice %arg5[%add3A_596, %dma_wait3A_597] : memref<256x100xi32, #tpu.memory_space<vmem>> -> memref<1x100xi32, #tpu.memory_space<vmem>>
      %dma_wait3A_599 = tpu.memref_squeeze %dma_wait3A_598 : memref<1x100xi32, #tpu.memory_space<vmem>> -> memref<100xi32, #tpu.memory_space<vmem>>
      %dma_wait3A_600 = arith.constant 0 : i32
      %dma_wait3A_601 = arith.constant 0 : i32
      %dma_wait3A_602 = tpu.memref_slice %arg3[%dma_wait3A_600, %dma_wait3A_601] : memref<1000000x32xf32, #tpu.memory_space<hbm>> -> memref<1000000x32xf32, #tpu.memory_space<hbm>>
      tpu.wait_indirect_dma semaphore(%arg19 : memref<!tpu.dma_semaphore, #tpu.memory_space<semaphore_mem>>) src(%dma_wait3A_602 : memref<1000000x32xf32, #tpu.memory_space<hbm>>) dst(%arg11 : memref<100x32xf32, #tpu.memory_space<vmem>>)
      %add3A_603 = arith.constant 5 : i32
      %add3A_604 = arith.addi %mul3A_354, %add3A_603 : i32
      %mul3A_605 = arith.constant 2 : i32
      %mul3A_606 = arith.muli %mul3A_605, %add3A_604 : i32
      %add3A_607 = arith.addi %mul3A_2, %mul3A_606 : i32
      %add3A_608 = arith.constant 0 : i32
      %add3A_609 = arith.addi %add3A_607, %add3A_608 : i32
      %dma_start3A_610 = arith.constant 0 : i32
      %dma_start3A_611 = arith.constant 0 : i32
      %dma_start3A_612 = tpu.memref_slice %arg11[%dma_start3A_610, %dma_start3A_611] : memref<100x32xf32, #tpu.memory_space<vmem>> -> memref<50x32xf32, #tpu.memory_space<vmem>>
      %dma_start3A_613 = arith.constant 0 : i32
      %dma_start3A_614 = arith.constant 0 : i32
      %dma_start3A_615 = tpu.memref_slice %arg4[%add3A_609, %dma_start3A_613, %dma_start3A_614] : memref<16384x50x32xf32, #tpu.memory_space<hbm>> -> memref<1x50x32xf32, #tpu.memory_space<hbm>>
      %dma_start3A_616 = tpu.memref_squeeze %dma_start3A_615 : memref<1x50x32xf32, #tpu.memory_space<hbm>> -> memref<50x32xf32, #tpu.memory_space<hbm>>
      %dma_start3A_617 = arith.constant 0 : i32
      %dma_start3A_618 = arith.constant 0 : i32
      %dma_start3A_619 = tpu.memref_slice %arg4[%add3A_609, %dma_start3A_617, %dma_start3A_618] : memref<16384x50x32xf32, #tpu.memory_space<hbm>> -> memref<1x50x32xf32, #tpu.memory_space<hbm>>
      %dma_start3A_620 = tpu.memref_squeeze %dma_start3A_619 : memref<1x50x32xf32, #tpu.memory_space<hbm>> -> memref<50x32xf32, #tpu.memory_space<hbm>>
      %dma_start3A_621 = arith.constant 0 : i32
      %dma_start3A_622 = arith.constant 0 : i32
      %dma_start3A_623 = tpu.memref_slice %arg11[%dma_start3A_621, %dma_start3A_622] : memref<100x32xf32, #tpu.memory_space<vmem>> -> memref<50x32xf32, #tpu.memory_space<vmem>>
      tpu.enqueue_dma source(%dma_start3A_623 : memref<50x32xf32, #tpu.memory_space<vmem>>) target(%dma_start3A_620 : memref<50x32xf32, #tpu.memory_space<hbm>>) target_semaphore(%arg27 : memref<!tpu.dma_semaphore, #tpu.memory_space<semaphore_mem>>)
      %mul3A_624 = arith.constant 2 : i32
      %mul3A_625 = arith.muli %mul3A_624, %add3A_604 : i32
      %add3A_626 = arith.addi %mul3A_2, %mul3A_625 : i32
      %add3A_627 = arith.constant 1 : i32
      %add3A_628 = arith.addi %add3A_626, %add3A_627 : i32
      %dma_start3A_629 = arith.constant 50 : i32
      %dma_start3A_630 = arith.constant 0 : i32
      %dma_start3A_631 = tpu.memref_slice %arg11[%dma_start3A_629, %dma_start3A_630] : memref<100x32xf32, #tpu.memory_space<vmem>> -> memref<50x32xf32, #tpu.memory_space<vmem>>
      %dma_start3A_632 = arith.constant 0 : i32
      %dma_start3A_633 = arith.constant 0 : i32
      %dma_start3A_634 = tpu.memref_slice %arg4[%add3A_628, %dma_start3A_632, %dma_start3A_633] : memref<16384x50x32xf32, #tpu.memory_space<hbm>> -> memref<1x50x32xf32, #tpu.memory_space<hbm>>
      %dma_start3A_635 = tpu.memref_squeeze %dma_start3A_634 : memref<1x50x32xf32, #tpu.memory_space<hbm>> -> memref<50x32xf32, #tpu.memory_space<hbm>>
      %dma_start3A_636 = arith.constant 0 : i32
      %dma_start3A_637 = arith.constant 0 : i32
      %dma_start3A_638 = tpu.memref_slice %arg4[%add3A_628, %dma_start3A_636, %dma_start3A_637] : memref<16384x50x32xf32, #tpu.memory_space<hbm>> -> memref<1x50x32xf32, #tpu.memory_space<hbm>>
      %dma_start3A_639 = tpu.memref_squeeze %dma_start3A_638 : memref<1x50x32xf32, #tpu.memory_space<hbm>> -> memref<50x32xf32, #tpu.memory_space<hbm>>
      %dma_start3A_640 = arith.constant 50 : i32
      %dma_start3A_641 = arith.constant 0 : i32
      %dma_start3A_642 = tpu.memref_slice %arg11[%dma_start3A_640, %dma_start3A_641] : memref<100x32xf32, #tpu.memory_space<vmem>> -> memref<50x32xf32, #tpu.memory_space<vmem>>
      tpu.enqueue_dma source(%dma_start3A_642 : memref<50x32xf32, #tpu.memory_space<vmem>>) target(%dma_start3A_639 : memref<50x32xf32, #tpu.memory_space<hbm>>) target_semaphore(%arg27 : memref<!tpu.dma_semaphore, #tpu.memory_space<semaphore_mem>>)
      %add3A_643 = arith.constant 6 : i32
      %add3A_644 = arith.addi %mul3A_354, %add3A_643 : i32
      %dma_wait3A_645 = arith.constant 0 : i32
      %dma_wait3A_646 = tpu.memref_slice %arg5[%add3A_644, %dma_wait3A_645] : memref<256x100xi32, #tpu.memory_space<vmem>> -> memref<1x100xi32, #tpu.memory_space<vmem>>
      %dma_wait3A_647 = tpu.memref_squeeze %dma_wait3A_646 : memref<1x100xi32, #tpu.memory_space<vmem>> -> memref<100xi32, #tpu.memory_space<vmem>>
      %dma_wait3A_648 = arith.constant 0 : i32
      %dma_wait3A_649 = arith.constant 0 : i32
      %dma_wait3A_650 = tpu.memref_slice %arg3[%dma_wait3A_648, %dma_wait3A_649] : memref<1000000x32xf32, #tpu.memory_space<hbm>> -> memref<1000000x32xf32, #tpu.memory_space<hbm>>
      tpu.wait_indirect_dma semaphore(%arg20 : memref<!tpu.dma_semaphore, #tpu.memory_space<semaphore_mem>>) src(%dma_wait3A_650 : memref<1000000x32xf32, #tpu.memory_space<hbm>>) dst(%arg12 : memref<100x32xf32, #tpu.memory_space<vmem>>)
      %add3A_651 = arith.constant 6 : i32
      %add3A_652 = arith.addi %mul3A_354, %add3A_651 : i32
      %mul3A_653 = arith.constant 2 : i32
      %mul3A_654 = arith.muli %mul3A_653, %add3A_652 : i32
      %add3A_655 = arith.addi %mul3A_2, %mul3A_654 : i32
      %add3A_656 = arith.constant 0 : i32
      %add3A_657 = arith.addi %add3A_655, %add3A_656 : i32
      %dma_start3A_658 = arith.constant 0 : i32
      %dma_start3A_659 = arith.constant 0 : i32
      %dma_start3A_660 = tpu.memref_slice %arg12[%dma_start3A_658, %dma_start3A_659] : memref<100x32xf32, #tpu.memory_space<vmem>> -> memref<50x32xf32, #tpu.memory_space<vmem>>
      %dma_start3A_661 = arith.constant 0 : i32
      %dma_start3A_662 = arith.constant 0 : i32
      %dma_start3A_663 = tpu.memref_slice %arg4[%add3A_657, %dma_start3A_661, %dma_start3A_662] : memref<16384x50x32xf32, #tpu.memory_space<hbm>> -> memref<1x50x32xf32, #tpu.memory_space<hbm>>
      %dma_start3A_664 = tpu.memref_squeeze %dma_start3A_663 : memref<1x50x32xf32, #tpu.memory_space<hbm>> -> memref<50x32xf32, #tpu.memory_space<hbm>>
      %dma_start3A_665 = arith.constant 0 : i32
      %dma_start3A_666 = arith.constant 0 : i32
      %dma_start3A_667 = tpu.memref_slice %arg4[%add3A_657, %dma_start3A_665, %dma_start3A_666] : memref<16384x50x32xf32, #tpu.memory_space<hbm>> -> memref<1x50x32xf32, #tpu.memory_space<hbm>>
      %dma_start3A_668 = tpu.memref_squeeze %dma_start3A_667 : memref<1x50x32xf32, #tpu.memory_space<hbm>> -> memref<50x32xf32, #tpu.memory_space<hbm>>
      %dma_start3A_669 = arith.constant 0 : i32
      %dma_start3A_670 = arith.constant 0 : i32
      %dma_start3A_671 = tpu.memref_slice %arg12[%dma_start3A_669, %dma_start3A_670] : memref<100x32xf32, #tpu.memory_space<vmem>> -> memref<50x32xf32, #tpu.memory_space<vmem>>
      tpu.enqueue_dma source(%dma_start3A_671 : memref<50x32xf32, #tpu.memory_space<vmem>>) target(%dma_start3A_668 : memref<50x32xf32, #tpu.memory_space<hbm>>) target_semaphore(%arg28 : memref<!tpu.dma_semaphore, #tpu.memory_space<semaphore_mem>>)
      %mul3A_672 = arith.constant 2 : i32
      %mul3A_673 = arith.muli %mul3A_672, %add3A_652 : i32
      %add3A_674 = arith.addi %mul3A_2, %mul3A_673 : i32
      %add3A_675 = arith.constant 1 : i32
      %add3A_676 = arith.addi %add3A_674, %add3A_675 : i32
      %dma_start3A_677 = arith.constant 50 : i32
      %dma_start3A_678 = arith.constant 0 : i32
      %dma_start3A_679 = tpu.memref_slice %arg12[%dma_start3A_677, %dma_start3A_678] : memref<100x32xf32, #tpu.memory_space<vmem>> -> memref<50x32xf32, #tpu.memory_space<vmem>>
      %dma_start3A_680 = arith.constant 0 : i32
      %dma_start3A_681 = arith.constant 0 : i32
      %dma_start3A_682 = tpu.memref_slice %arg4[%add3A_676, %dma_start3A_680, %dma_start3A_681] : memref<16384x50x32xf32, #tpu.memory_space<hbm>> -> memref<1x50x32xf32, #tpu.memory_space<hbm>>
      %dma_start3A_683 = tpu.memref_squeeze %dma_start3A_682 : memref<1x50x32xf32, #tpu.memory_space<hbm>> -> memref<50x32xf32, #tpu.memory_space<hbm>>
      %dma_start3A_684 = arith.constant 0 : i32
      %dma_start3A_685 = arith.constant 0 : i32
      %dma_start3A_686 = tpu.memref_slice %arg4[%add3A_676, %dma_start3A_684, %dma_start3A_685] : memref<16384x50x32xf32, #tpu.memory_space<hbm>> -> memref<1x50x32xf32, #tpu.memory_space<hbm>>
      %dma_start3A_687 = tpu.memref_squeeze %dma_start3A_686 : memref<1x50x32xf32, #tpu.memory_space<hbm>> -> memref<50x32xf32, #tpu.memory_space<hbm>>
      %dma_start3A_688 = arith.constant 50 : i32
      %dma_start3A_689 = arith.constant 0 : i32
      %dma_start3A_690 = tpu.memref_slice %arg12[%dma_start3A_688, %dma_start3A_689] : memref<100x32xf32, #tpu.memory_space<vmem>> -> memref<50x32xf32, #tpu.memory_space<vmem>>
      tpu.enqueue_dma source(%dma_start3A_690 : memref<50x32xf32, #tpu.memory_space<vmem>>) target(%dma_start3A_687 : memref<50x32xf32, #tpu.memory_space<hbm>>) target_semaphore(%arg28 : memref<!tpu.dma_semaphore, #tpu.memory_space<semaphore_mem>>)
      %add3A_691 = arith.constant 7 : i32
      %add3A_692 = arith.addi %mul3A_354, %add3A_691 : i32
      %dma_wait3A_693 = arith.constant 0 : i32
      %dma_wait3A_694 = tpu.memref_slice %arg5[%add3A_692, %dma_wait3A_693] : memref<256x100xi32, #tpu.memory_space<vmem>> -> memref<1x100xi32, #tpu.memory_space<vmem>>
      %dma_wait3A_695 = tpu.memref_squeeze %dma_wait3A_694 : memref<1x100xi32, #tpu.memory_space<vmem>> -> memref<100xi32, #tpu.memory_space<vmem>>
      %dma_wait3A_696 = arith.constant 0 : i32
      %dma_wait3A_697 = arith.constant 0 : i32
      %dma_wait3A_698 = tpu.memref_slice %arg3[%dma_wait3A_696, %dma_wait3A_697] : memref<1000000x32xf32, #tpu.memory_space<hbm>> -> memref<1000000x32xf32, #tpu.memory_space<hbm>>
      tpu.wait_indirect_dma semaphore(%arg21 : memref<!tpu.dma_semaphore, #tpu.memory_space<semaphore_mem>>) src(%dma_wait3A_698 : memref<1000000x32xf32, #tpu.memory_space<hbm>>) dst(%arg13 : memref<100x32xf32, #tpu.memory_space<vmem>>)
      %add3A_699 = arith.constant 7 : i32
      %add3A_700 = arith.addi %mul3A_354, %add3A_699 : i32
      %mul3A_701 = arith.constant 2 : i32
      %mul3A_702 = arith.muli %mul3A_701, %add3A_700 : i32
      %add3A_703 = arith.addi %mul3A_2, %mul3A_702 : i32
      %add3A_704 = arith.constant 0 : i32
      %add3A_705 = arith.addi %add3A_703, %add3A_704 : i32
      %dma_start3A_706 = arith.constant 0 : i32
      %dma_start3A_707 = arith.constant 0 : i32
      %dma_start3A_708 = tpu.memref_slice %arg13[%dma_start3A_706, %dma_start3A_707] : memref<100x32xf32, #tpu.memory_space<vmem>> -> memref<50x32xf32, #tpu.memory_space<vmem>>
      %dma_start3A_709 = arith.constant 0 : i32
      %dma_start3A_710 = arith.constant 0 : i32
      %dma_start3A_711 = tpu.memref_slice %arg4[%add3A_705, %dma_start3A_709, %dma_start3A_710] : memref<16384x50x32xf32, #tpu.memory_space<hbm>> -> memref<1x50x32xf32, #tpu.memory_space<hbm>>
      %dma_start3A_712 = tpu.memref_squeeze %dma_start3A_711 : memref<1x50x32xf32, #tpu.memory_space<hbm>> -> memref<50x32xf32, #tpu.memory_space<hbm>>
      %dma_start3A_713 = arith.constant 0 : i32
      %dma_start3A_714 = arith.constant 0 : i32
      %dma_start3A_715 = tpu.memref_slice %arg4[%add3A_705, %dma_start3A_713, %dma_start3A_714] : memref<16384x50x32xf32, #tpu.memory_space<hbm>> -> memref<1x50x32xf32, #tpu.memory_space<hbm>>
      %dma_start3A_716 = tpu.memref_squeeze %dma_start3A_715 : memref<1x50x32xf32, #tpu.memory_space<hbm>> -> memref<50x32xf32, #tpu.memory_space<hbm>>
      %dma_start3A_717 = arith.constant 0 : i32
      %dma_start3A_718 = arith.constant 0 : i32
      %dma_start3A_719 = tpu.memref_slice %arg13[%dma_start3A_717, %dma_start3A_718] : memref<100x32xf32, #tpu.memory_space<vmem>> -> memref<50x32xf32, #tpu.memory_space<vmem>>
      tpu.enqueue_dma source(%dma_start3A_719 : memref<50x32xf32, #tpu.memory_space<vmem>>) target(%dma_start3A_716 : memref<50x32xf32, #tpu.memory_space<hbm>>) target_semaphore(%arg29 : memref<!tpu.dma_semaphore, #tpu.memory_space<semaphore_mem>>)
      %mul3A_720 = arith.constant 2 : i32
      %mul3A_721 = arith.muli %mul3A_720, %add3A_700 : i32
      %add3A_722 = arith.addi %mul3A_2, %mul3A_721 : i32
      %add3A_723 = arith.constant 1 : i32
      %add3A_724 = arith.addi %add3A_722, %add3A_723 : i32
      %dma_start3A_725 = arith.constant 50 : i32
      %dma_start3A_726 = arith.constant 0 : i32
      %dma_start3A_727 = tpu.memref_slice %arg13[%dma_start3A_725, %dma_start3A_726] : memref<100x32xf32, #tpu.memory_space<vmem>> -> memref<50x32xf32, #tpu.memory_space<vmem>>
      %dma_start3A_728 = arith.constant 0 : i32
      %dma_start3A_729 = arith.constant 0 : i32
      %dma_start3A_730 = tpu.memref_slice %arg4[%add3A_724, %dma_start3A_728, %dma_start3A_729] : memref<16384x50x32xf32, #tpu.memory_space<hbm>> -> memref<1x50x32xf32, #tpu.memory_space<hbm>>
      %dma_start3A_731 = tpu.memref_squeeze %dma_start3A_730 : memref<1x50x32xf32, #tpu.memory_space<hbm>> -> memref<50x32xf32, #tpu.memory_space<hbm>>
      %dma_start3A_732 = arith.constant 0 : i32
      %dma_start3A_733 = arith.constant 0 : i32
      %dma_start3A_734 = tpu.memref_slice %arg4[%add3A_724, %dma_start3A_732, %dma_start3A_733] : memref<16384x50x32xf32, #tpu.memory_space<hbm>> -> memref<1x50x32xf32, #tpu.memory_space<hbm>>
      %dma_start3A_735 = tpu.memref_squeeze %dma_start3A_734 : memref<1x50x32xf32, #tpu.memory_space<hbm>> -> memref<50x32xf32, #tpu.memory_space<hbm>>
      %dma_start3A_736 = arith.constant 50 : i32
      %dma_start3A_737 = arith.constant 0 : i32
      %dma_start3A_738 = tpu.memref_slice %arg13[%dma_start3A_736, %dma_start3A_737] : memref<100x32xf32, #tpu.memory_space<vmem>> -> memref<50x32xf32, #tpu.memory_space<vmem>>
      tpu.enqueue_dma source(%dma_start3A_738 : memref<50x32xf32, #tpu.memory_space<vmem>>) target(%dma_start3A_735 : memref<50x32xf32, #tpu.memory_space<hbm>>) target_semaphore(%arg29 : memref<!tpu.dma_semaphore, #tpu.memory_space<semaphore_mem>>)
      %add3A_739 = arith.constant 1 : i32
      %add3A_740 = arith.addi %scan3A_352, %add3A_739 : i32
      %lt3A = arith.constant 32 : i32
      %lt3A_741 = arith.cmpi slt, %add3A_740, %lt3A : i32
      %convert_element_type3A = arith.extui %lt3A_741 : i1 to i32
      %cond3A = arith.constant 0 : i32
      %cond3A_742 = arith.cmpi ne, %convert_element_type3A, %cond3A : i32
      scf.if %cond3A_742 {
        %add3A_743 = arith.constant 0 : i32
        %add3A_744 = arith.addi %mul3A_354, %add3A_743 : i32
        %mul3A_745 = arith.constant 2 : i32
        %mul3A_746 = arith.muli %mul3A_745, %add3A_744 : i32
        %add3A_747 = arith.addi %mul3A_2, %mul3A_746 : i32
        %add3A_748 = arith.constant 0 : i32
        %add3A_749 = arith.addi %add3A_747, %add3A_748 : i32
        %dma_wait3A_750 = arith.constant 0 : i32
        %dma_wait3A_751 = arith.constant 0 : i32
        %dma_wait3A_752 = tpu.memref_slice %arg6[%dma_wait3A_750, %dma_wait3A_751] : memref<100x32xf32, #tpu.memory_space<vmem>> -> memref<50x32xf32, #tpu.memory_space<vmem>>
        %dma_wait3A_753 = arith.constant 0 : i32
        %dma_wait3A_754 = arith.constant 0 : i32
        %dma_wait3A_755 = tpu.memref_slice %arg4[%add3A_749, %dma_wait3A_753, %dma_wait3A_754] : memref<16384x50x32xf32, #tpu.memory_space<hbm>> -> memref<1x50x32xf32, #tpu.memory_space<hbm>>
        %dma_wait3A_756 = tpu.memref_squeeze %dma_wait3A_755 : memref<1x50x32xf32, #tpu.memory_space<hbm>> -> memref<50x32xf32, #tpu.memory_space<hbm>>
        %dma_wait3A_757 = arith.constant 0 : i32
        %dma_wait3A_758 = arith.constant 0 : i32
        %dma_wait3A_759 = tpu.memref_slice %arg4[%add3A_749, %dma_wait3A_757, %dma_wait3A_758] : memref<16384x50x32xf32, #tpu.memory_space<hbm>> -> memref<1x50x32xf32, #tpu.memory_space<hbm>>
        %dma_wait3A_760 = tpu.memref_squeeze %dma_wait3A_759 : memref<1x50x32xf32, #tpu.memory_space<hbm>> -> memref<50x32xf32, #tpu.memory_space<hbm>>
        %dma_wait3A_761 = arith.constant 0 : i32
        %dma_wait3A_762 = arith.constant 0 : i32
        %dma_wait3A_763 = tpu.memref_slice %arg6[%dma_wait3A_761, %dma_wait3A_762] : memref<100x32xf32, #tpu.memory_space<vmem>> -> memref<50x32xf32, #tpu.memory_space<vmem>>
        tpu.wait_dma2 semaphore(%arg22 : memref<!tpu.dma_semaphore, #tpu.memory_space<semaphore_mem>>) src(%dma_wait3A_763 : memref<50x32xf32, #tpu.memory_space<vmem>>) dst(%dma_wait3A_760 : memref<50x32xf32, #tpu.memory_space<hbm>>)
        %mul3A_764 = arith.constant 2 : i32
        %mul3A_765 = arith.muli %mul3A_764, %add3A_744 : i32
        %add3A_766 = arith.addi %mul3A_2, %mul3A_765 : i32
        %add3A_767 = arith.constant 1 : i32
        %add3A_768 = arith.addi %add3A_766, %add3A_767 : i32
        %dma_wait3A_769 = arith.constant 50 : i32
        %dma_wait3A_770 = arith.constant 0 : i32
        %dma_wait3A_771 = tpu.memref_slice %arg6[%dma_wait3A_769, %dma_wait3A_770] : memref<100x32xf32, #tpu.memory_space<vmem>> -> memref<50x32xf32, #tpu.memory_space<vmem>>
        %dma_wait3A_772 = arith.constant 0 : i32
        %dma_wait3A_773 = arith.constant 0 : i32
        %dma_wait3A_774 = tpu.memref_slice %arg4[%add3A_768, %dma_wait3A_772, %dma_wait3A_773] : memref<16384x50x32xf32, #tpu.memory_space<hbm>> -> memref<1x50x32xf32, #tpu.memory_space<hbm>>
        %dma_wait3A_775 = tpu.memref_squeeze %dma_wait3A_774 : memref<1x50x32xf32, #tpu.memory_space<hbm>> -> memref<50x32xf32, #tpu.memory_space<hbm>>
        %dma_wait3A_776 = arith.constant 0 : i32
        %dma_wait3A_777 = arith.constant 0 : i32
        %dma_wait3A_778 = tpu.memref_slice %arg4[%add3A_768, %dma_wait3A_776, %dma_wait3A_777] : memref<16384x50x32xf32, #tpu.memory_space<hbm>> -> memref<1x50x32xf32, #tpu.memory_space<hbm>>
        %dma_wait3A_779 = tpu.memref_squeeze %dma_wait3A_778 : memref<1x50x32xf32, #tpu.memory_space<hbm>> -> memref<50x32xf32, #tpu.memory_space<hbm>>
        %dma_wait3A_780 = arith.constant 50 : i32
        %dma_wait3A_781 = arith.constant 0 : i32
        %dma_wait3A_782 = tpu.memref_slice %arg6[%dma_wait3A_780, %dma_wait3A_781] : memref<100x32xf32, #tpu.memory_space<vmem>> -> memref<50x32xf32, #tpu.memory_space<vmem>>
        tpu.wait_dma2 semaphore(%arg22 : memref<!tpu.dma_semaphore, #tpu.memory_space<semaphore_mem>>) src(%dma_wait3A_782 : memref<50x32xf32, #tpu.memory_space<vmem>>) dst(%dma_wait3A_779 : memref<50x32xf32, #tpu.memory_space<hbm>>)
        %add3A_783 = arith.constant 8 : i32
        %add3A_784 = arith.addi %mul3A_354, %add3A_783 : i32
        %add3A_785 = arith.constant 0 : i32
        %add3A_786 = arith.addi %add3A_784, %add3A_785 : i32
        %dma_start3A_787 = arith.constant 0 : i32
        %dma_start3A_788 = tpu.memref_slice %arg5[%add3A_786, %dma_start3A_787] : memref<256x100xi32, #tpu.memory_space<vmem>> -> memref<1x100xi32, #tpu.memory_space<vmem>>
        %dma_start3A_789 = tpu.memref_squeeze %dma_start3A_788 : memref<1x100xi32, #tpu.memory_space<vmem>> -> memref<100xi32, #tpu.memory_space<vmem>>
        %dma_start3A_790 = arith.constant 0 : i32
        %dma_start3A_791 = arith.constant 0 : i32
        %dma_start3A_792 = tpu.memref_slice %arg3[%dma_start3A_790, %dma_start3A_791] : memref<1000000x32xf32, #tpu.memory_space<hbm>> -> memref<1000000x32xf32, #tpu.memory_space<hbm>>
        tpu.enqueue_indirect_dma source(%dma_start3A_792 : memref<1000000x32xf32, #tpu.memory_space<hbm>>) target(%arg6 : memref<100x32xf32, #tpu.memory_space<vmem>>) offsets(%dma_start3A_789 : memref<100xi32, #tpu.memory_space<vmem>>) semaphore(%arg14 : memref<!tpu.dma_semaphore, #tpu.memory_space<semaphore_mem>>)
        %add3A_793 = arith.constant 1 : i32
        %add3A_794 = arith.addi %mul3A_354, %add3A_793 : i32
        %mul3A_795 = arith.constant 2 : i32
        %mul3A_796 = arith.muli %mul3A_795, %add3A_794 : i32
        %add3A_797 = arith.addi %mul3A_2, %mul3A_796 : i32
        %add3A_798 = arith.constant 0 : i32
        %add3A_799 = arith.addi %add3A_797, %add3A_798 : i32
        %dma_wait3A_800 = arith.constant 0 : i32
        %dma_wait3A_801 = arith.constant 0 : i32
        %dma_wait3A_802 = tpu.memref_slice %arg7[%dma_wait3A_800, %dma_wait3A_801] : memref<100x32xf32, #tpu.memory_space<vmem>> -> memref<50x32xf32, #tpu.memory_space<vmem>>
        %dma_wait3A_803 = arith.constant 0 : i32
        %dma_wait3A_804 = arith.constant 0 : i32
        %dma_wait3A_805 = tpu.memref_slice %arg4[%add3A_799, %dma_wait3A_803, %dma_wait3A_804] : memref<16384x50x32xf32, #tpu.memory_space<hbm>> -> memref<1x50x32xf32, #tpu.memory_space<hbm>>
        %dma_wait3A_806 = tpu.memref_squeeze %dma_wait3A_805 : memref<1x50x32xf32, #tpu.memory_space<hbm>> -> memref<50x32xf32, #tpu.memory_space<hbm>>
        %dma_wait3A_807 = arith.constant 0 : i32
        %dma_wait3A_808 = arith.constant 0 : i32
        %dma_wait3A_809 = tpu.memref_slice %arg4[%add3A_799, %dma_wait3A_807, %dma_wait3A_808] : memref<16384x50x32xf32, #tpu.memory_space<hbm>> -> memref<1x50x32xf32, #tpu.memory_space<hbm>>
        %dma_wait3A_810 = tpu.memref_squeeze %dma_wait3A_809 : memref<1x50x32xf32, #tpu.memory_space<hbm>> -> memref<50x32xf32, #tpu.memory_space<hbm>>
        %dma_wait3A_811 = arith.constant 0 : i32
        %dma_wait3A_812 = arith.constant 0 : i32
        %dma_wait3A_813 = tpu.memref_slice %arg7[%dma_wait3A_811, %dma_wait3A_812] : memref<100x32xf32, #tpu.memory_space<vmem>> -> memref<50x32xf32, #tpu.memory_space<vmem>>
        tpu.wait_dma2 semaphore(%arg23 : memref<!tpu.dma_semaphore, #tpu.memory_space<semaphore_mem>>) src(%dma_wait3A_813 : memref<50x32xf32, #tpu.memory_space<vmem>>) dst(%dma_wait3A_810 : memref<50x32xf32, #tpu.memory_space<hbm>>)
        %mul3A_814 = arith.constant 2 : i32
        %mul3A_815 = arith.muli %mul3A_814, %add3A_794 : i32
        %add3A_816 = arith.addi %mul3A_2, %mul3A_815 : i32
        %add3A_817 = arith.constant 1 : i32
        %add3A_818 = arith.addi %add3A_816, %add3A_817 : i32
        %dma_wait3A_819 = arith.constant 50 : i32
        %dma_wait3A_820 = arith.constant 0 : i32
        %dma_wait3A_821 = tpu.memref_slice %arg7[%dma_wait3A_819, %dma_wait3A_820] : memref<100x32xf32, #tpu.memory_space<vmem>> -> memref<50x32xf32, #tpu.memory_space<vmem>>
        %dma_wait3A_822 = arith.constant 0 : i32
        %dma_wait3A_823 = arith.constant 0 : i32
        %dma_wait3A_824 = tpu.memref_slice %arg4[%add3A_818, %dma_wait3A_822, %dma_wait3A_823] : memref<16384x50x32xf32, #tpu.memory_space<hbm>> -> memref<1x50x32xf32, #tpu.memory_space<hbm>>
        %dma_wait3A_825 = tpu.memref_squeeze %dma_wait3A_824 : memref<1x50x32xf32, #tpu.memory_space<hbm>> -> memref<50x32xf32, #tpu.memory_space<hbm>>
        %dma_wait3A_826 = arith.constant 0 : i32
        %dma_wait3A_827 = arith.constant 0 : i32
        %dma_wait3A_828 = tpu.memref_slice %arg4[%add3A_818, %dma_wait3A_826, %dma_wait3A_827] : memref<16384x50x32xf32, #tpu.memory_space<hbm>> -> memref<1x50x32xf32, #tpu.memory_space<hbm>>
        %dma_wait3A_829 = tpu.memref_squeeze %dma_wait3A_828 : memref<1x50x32xf32, #tpu.memory_space<hbm>> -> memref<50x32xf32, #tpu.memory_space<hbm>>
        %dma_wait3A_830 = arith.constant 50 : i32
        %dma_wait3A_831 = arith.constant 0 : i32
        %dma_wait3A_832 = tpu.memref_slice %arg7[%dma_wait3A_830, %dma_wait3A_831] : memref<100x32xf32, #tpu.memory_space<vmem>> -> memref<50x32xf32, #tpu.memory_space<vmem>>
        tpu.wait_dma2 semaphore(%arg23 : memref<!tpu.dma_semaphore, #tpu.memory_space<semaphore_mem>>) src(%dma_wait3A_832 : memref<50x32xf32, #tpu.memory_space<vmem>>) dst(%dma_wait3A_829 : memref<50x32xf32, #tpu.memory_space<hbm>>)
        %add3A_833 = arith.constant 8 : i32
        %add3A_834 = arith.addi %mul3A_354, %add3A_833 : i32
        %add3A_835 = arith.constant 1 : i32
        %add3A_836 = arith.addi %add3A_834, %add3A_835 : i32
        %dma_start3A_837 = arith.constant 0 : i32
        %dma_start3A_838 = tpu.memref_slice %arg5[%add3A_836, %dma_start3A_837] : memref<256x100xi32, #tpu.memory_space<vmem>> -> memref<1x100xi32, #tpu.memory_space<vmem>>
        %dma_start3A_839 = tpu.memref_squeeze %dma_start3A_838 : memref<1x100xi32, #tpu.memory_space<vmem>> -> memref<100xi32, #tpu.memory_space<vmem>>
        %dma_start3A_840 = arith.constant 0 : i32
        %dma_start3A_841 = arith.constant 0 : i32
        %dma_start3A_842 = tpu.memref_slice %arg3[%dma_start3A_840, %dma_start3A_841] : memref<1000000x32xf32, #tpu.memory_space<hbm>> -> memref<1000000x32xf32, #tpu.memory_space<hbm>>
        tpu.enqueue_indirect_dma source(%dma_start3A_842 : memref<1000000x32xf32, #tpu.memory_space<hbm>>) target(%arg7 : memref<100x32xf32, #tpu.memory_space<vmem>>) offsets(%dma_start3A_839 : memref<100xi32, #tpu.memory_space<vmem>>) semaphore(%arg15 : memref<!tpu.dma_semaphore, #tpu.memory_space<semaphore_mem>>)
        %add3A_843 = arith.constant 2 : i32
        %add3A_844 = arith.addi %mul3A_354, %add3A_843 : i32
        %mul3A_845 = arith.constant 2 : i32
        %mul3A_846 = arith.muli %mul3A_845, %add3A_844 : i32
        %add3A_847 = arith.addi %mul3A_2, %mul3A_846 : i32
        %add3A_848 = arith.constant 0 : i32
        %add3A_849 = arith.addi %add3A_847, %add3A_848 : i32
        %dma_wait3A_850 = arith.constant 0 : i32
        %dma_wait3A_851 = arith.constant 0 : i32
        %dma_wait3A_852 = tpu.memref_slice %arg8[%dma_wait3A_850, %dma_wait3A_851] : memref<100x32xf32, #tpu.memory_space<vmem>> -> memref<50x32xf32, #tpu.memory_space<vmem>>
        %dma_wait3A_853 = arith.constant 0 : i32
        %dma_wait3A_854 = arith.constant 0 : i32
        %dma_wait3A_855 = tpu.memref_slice %arg4[%add3A_849, %dma_wait3A_853, %dma_wait3A_854] : memref<16384x50x32xf32, #tpu.memory_space<hbm>> -> memref<1x50x32xf32, #tpu.memory_space<hbm>>
        %dma_wait3A_856 = tpu.memref_squeeze %dma_wait3A_855 : memref<1x50x32xf32, #tpu.memory_space<hbm>> -> memref<50x32xf32, #tpu.memory_space<hbm>>
        %dma_wait3A_857 = arith.constant 0 : i32
        %dma_wait3A_858 = arith.constant 0 : i32
        %dma_wait3A_859 = tpu.memref_slice %arg4[%add3A_849, %dma_wait3A_857, %dma_wait3A_858] : memref<16384x50x32xf32, #tpu.memory_space<hbm>> -> memref<1x50x32xf32, #tpu.memory_space<hbm>>
        %dma_wait3A_860 = tpu.memref_squeeze %dma_wait3A_859 : memref<1x50x32xf32, #tpu.memory_space<hbm>> -> memref<50x32xf32, #tpu.memory_space<hbm>>
        %dma_wait3A_861 = arith.constant 0 : i32
        %dma_wait3A_862 = arith.constant 0 : i32
        %dma_wait3A_863 = tpu.memref_slice %arg8[%dma_wait3A_861, %dma_wait3A_862] : memref<100x32xf32, #tpu.memory_space<vmem>> -> memref<50x32xf32, #tpu.memory_space<vmem>>
        tpu.wait_dma2 semaphore(%arg24 : memref<!tpu.dma_semaphore, #tpu.memory_space<semaphore_mem>>) src(%dma_wait3A_863 : memref<50x32xf32, #tpu.memory_space<vmem>>) dst(%dma_wait3A_860 : memref<50x32xf32, #tpu.memory_space<hbm>>)
        %mul3A_864 = arith.constant 2 : i32
        %mul3A_865 = arith.muli %mul3A_864, %add3A_844 : i32
        %add3A_866 = arith.addi %mul3A_2, %mul3A_865 : i32
        %add3A_867 = arith.constant 1 : i32
        %add3A_868 = arith.addi %add3A_866, %add3A_867 : i32
        %dma_wait3A_869 = arith.constant 50 : i32
        %dma_wait3A_870 = arith.constant 0 : i32
        %dma_wait3A_871 = tpu.memref_slice %arg8[%dma_wait3A_869, %dma_wait3A_870] : memref<100x32xf32, #tpu.memory_space<vmem>> -> memref<50x32xf32, #tpu.memory_space<vmem>>
        %dma_wait3A_872 = arith.constant 0 : i32
        %dma_wait3A_873 = arith.constant 0 : i32
        %dma_wait3A_874 = tpu.memref_slice %arg4[%add3A_868, %dma_wait3A_872, %dma_wait3A_873] : memref<16384x50x32xf32, #tpu.memory_space<hbm>> -> memref<1x50x32xf32, #tpu.memory_space<hbm>>
        %dma_wait3A_875 = tpu.memref_squeeze %dma_wait3A_874 : memref<1x50x32xf32, #tpu.memory_space<hbm>> -> memref<50x32xf32, #tpu.memory_space<hbm>>
        %dma_wait3A_876 = arith.constant 0 : i32
        %dma_wait3A_877 = arith.constant 0 : i32
        %dma_wait3A_878 = tpu.memref_slice %arg4[%add3A_868, %dma_wait3A_876, %dma_wait3A_877] : memref<16384x50x32xf32, #tpu.memory_space<hbm>> -> memref<1x50x32xf32, #tpu.memory_space<hbm>>
        %dma_wait3A_879 = tpu.memref_squeeze %dma_wait3A_878 : memref<1x50x32xf32, #tpu.memory_space<hbm>> -> memref<50x32xf32, #tpu.memory_space<hbm>>
        %dma_wait3A_880 = arith.constant 50 : i32
        %dma_wait3A_881 = arith.constant 0 : i32
        %dma_wait3A_882 = tpu.memref_slice %arg8[%dma_wait3A_880, %dma_wait3A_881] : memref<100x32xf32, #tpu.memory_space<vmem>> -> memref<50x32xf32, #tpu.memory_space<vmem>>
        tpu.wait_dma2 semaphore(%arg24 : memref<!tpu.dma_semaphore, #tpu.memory_space<semaphore_mem>>) src(%dma_wait3A_882 : memref<50x32xf32, #tpu.memory_space<vmem>>) dst(%dma_wait3A_879 : memref<50x32xf32, #tpu.memory_space<hbm>>)
        %add3A_883 = arith.constant 8 : i32
        %add3A_884 = arith.addi %mul3A_354, %add3A_883 : i32
        %add3A_885 = arith.constant 2 : i32
        %add3A_886 = arith.addi %add3A_884, %add3A_885 : i32
        %dma_start3A_887 = arith.constant 0 : i32
        %dma_start3A_888 = tpu.memref_slice %arg5[%add3A_886, %dma_start3A_887] : memref<256x100xi32, #tpu.memory_space<vmem>> -> memref<1x100xi32, #tpu.memory_space<vmem>>
        %dma_start3A_889 = tpu.memref_squeeze %dma_start3A_888 : memref<1x100xi32, #tpu.memory_space<vmem>> -> memref<100xi32, #tpu.memory_space<vmem>>
        %dma_start3A_890 = arith.constant 0 : i32
        %dma_start3A_891 = arith.constant 0 : i32
        %dma_start3A_892 = tpu.memref_slice %arg3[%dma_start3A_890, %dma_start3A_891] : memref<1000000x32xf32, #tpu.memory_space<hbm>> -> memref<1000000x32xf32, #tpu.memory_space<hbm>>
        tpu.enqueue_indirect_dma source(%dma_start3A_892 : memref<1000000x32xf32, #tpu.memory_space<hbm>>) target(%arg8 : memref<100x32xf32, #tpu.memory_space<vmem>>) offsets(%dma_start3A_889 : memref<100xi32, #tpu.memory_space<vmem>>) semaphore(%arg16 : memref<!tpu.dma_semaphore, #tpu.memory_space<semaphore_mem>>)
        %add3A_893 = arith.constant 3 : i32
        %add3A_894 = arith.addi %mul3A_354, %add3A_893 : i32
        %mul3A_895 = arith.constant 2 : i32
        %mul3A_896 = arith.muli %mul3A_895, %add3A_894 : i32
        %add3A_897 = arith.addi %mul3A_2, %mul3A_896 : i32
        %add3A_898 = arith.constant 0 : i32
        %add3A_899 = arith.addi %add3A_897, %add3A_898 : i32
        %dma_wait3A_900 = arith.constant 0 : i32
        %dma_wait3A_901 = arith.constant 0 : i32
        %dma_wait3A_902 = tpu.memref_slice %arg9[%dma_wait3A_900, %dma_wait3A_901] : memref<100x32xf32, #tpu.memory_space<vmem>> -> memref<50x32xf32, #tpu.memory_space<vmem>>
        %dma_wait3A_903 = arith.constant 0 : i32
        %dma_wait3A_904 = arith.constant 0 : i32
        %dma_wait3A_905 = tpu.memref_slice %arg4[%add3A_899, %dma_wait3A_903, %dma_wait3A_904] : memref<16384x50x32xf32, #tpu.memory_space<hbm>> -> memref<1x50x32xf32, #tpu.memory_space<hbm>>
        %dma_wait3A_906 = tpu.memref_squeeze %dma_wait3A_905 : memref<1x50x32xf32, #tpu.memory_space<hbm>> -> memref<50x32xf32, #tpu.memory_space<hbm>>
        %dma_wait3A_907 = arith.constant 0 : i32
        %dma_wait3A_908 = arith.constant 0 : i32
        %dma_wait3A_909 = tpu.memref_slice %arg4[%add3A_899, %dma_wait3A_907, %dma_wait3A_908] : memref<16384x50x32xf32, #tpu.memory_space<hbm>> -> memref<1x50x32xf32, #tpu.memory_space<hbm>>
        %dma_wait3A_910 = tpu.memref_squeeze %dma_wait3A_909 : memref<1x50x32xf32, #tpu.memory_space<hbm>> -> memref<50x32xf32, #tpu.memory_space<hbm>>
        %dma_wait3A_911 = arith.constant 0 : i32
        %dma_wait3A_912 = arith.constant 0 : i32
        %dma_wait3A_913 = tpu.memref_slice %arg9[%dma_wait3A_911, %dma_wait3A_912] : memref<100x32xf32, #tpu.memory_space<vmem>> -> memref<50x32xf32, #tpu.memory_space<vmem>>
        tpu.wait_dma2 semaphore(%arg25 : memref<!tpu.dma_semaphore, #tpu.memory_space<semaphore_mem>>) src(%dma_wait3A_913 : memref<50x32xf32, #tpu.memory_space<vmem>>) dst(%dma_wait3A_910 : memref<50x32xf32, #tpu.memory_space<hbm>>)
        %mul3A_914 = arith.constant 2 : i32
        %mul3A_915 = arith.muli %mul3A_914, %add3A_894 : i32
        %add3A_916 = arith.addi %mul3A_2, %mul3A_915 : i32
        %add3A_917 = arith.constant 1 : i32
        %add3A_918 = arith.addi %add3A_916, %add3A_917 : i32
        %dma_wait3A_919 = arith.constant 50 : i32
        %dma_wait3A_920 = arith.constant 0 : i32
        %dma_wait3A_921 = tpu.memref_slice %arg9[%dma_wait3A_919, %dma_wait3A_920] : memref<100x32xf32, #tpu.memory_space<vmem>> -> memref<50x32xf32, #tpu.memory_space<vmem>>
        %dma_wait3A_922 = arith.constant 0 : i32
        %dma_wait3A_923 = arith.constant 0 : i32
        %dma_wait3A_924 = tpu.memref_slice %arg4[%add3A_918, %dma_wait3A_922, %dma_wait3A_923] : memref<16384x50x32xf32, #tpu.memory_space<hbm>> -> memref<1x50x32xf32, #tpu.memory_space<hbm>>
        %dma_wait3A_925 = tpu.memref_squeeze %dma_wait3A_924 : memref<1x50x32xf32, #tpu.memory_space<hbm>> -> memref<50x32xf32, #tpu.memory_space<hbm>>
        %dma_wait3A_926 = arith.constant 0 : i32
        %dma_wait3A_927 = arith.constant 0 : i32
        %dma_wait3A_928 = tpu.memref_slice %arg4[%add3A_918, %dma_wait3A_926, %dma_wait3A_927] : memref<16384x50x32xf32, #tpu.memory_space<hbm>> -> memref<1x50x32xf32, #tpu.memory_space<hbm>>
        %dma_wait3A_929 = tpu.memref_squeeze %dma_wait3A_928 : memref<1x50x32xf32, #tpu.memory_space<hbm>> -> memref<50x32xf32, #tpu.memory_space<hbm>>
        %dma_wait3A_930 = arith.constant 50 : i32
        %dma_wait3A_931 = arith.constant 0 : i32
        %dma_wait3A_932 = tpu.memref_slice %arg9[%dma_wait3A_930, %dma_wait3A_931] : memref<100x32xf32, #tpu.memory_space<vmem>> -> memref<50x32xf32, #tpu.memory_space<vmem>>
        tpu.wait_dma2 semaphore(%arg25 : memref<!tpu.dma_semaphore, #tpu.memory_space<semaphore_mem>>) src(%dma_wait3A_932 : memref<50x32xf32, #tpu.memory_space<vmem>>) dst(%dma_wait3A_929 : memref<50x32xf32, #tpu.memory_space<hbm>>)
        %add3A_933 = arith.constant 8 : i32
        %add3A_934 = arith.addi %mul3A_354, %add3A_933 : i32
        %add3A_935 = arith.constant 3 : i32
        %add3A_936 = arith.addi %add3A_934, %add3A_935 : i32
        %dma_start3A_937 = arith.constant 0 : i32
        %dma_start3A_938 = tpu.memref_slice %arg5[%add3A_936, %dma_start3A_937] : memref<256x100xi32, #tpu.memory_space<vmem>> -> memref<1x100xi32, #tpu.memory_space<vmem>>
        %dma_start3A_939 = tpu.memref_squeeze %dma_start3A_938 : memref<1x100xi32, #tpu.memory_space<vmem>> -> memref<100xi32, #tpu.memory_space<vmem>>
        %dma_start3A_940 = arith.constant 0 : i32
        %dma_start3A_941 = arith.constant 0 : i32
        %dma_start3A_942 = tpu.memref_slice %arg3[%dma_start3A_940, %dma_start3A_941] : memref<1000000x32xf32, #tpu.memory_space<hbm>> -> memref<1000000x32xf32, #tpu.memory_space<hbm>>
        tpu.enqueue_indirect_dma source(%dma_start3A_942 : memref<1000000x32xf32, #tpu.memory_space<hbm>>) target(%arg9 : memref<100x32xf32, #tpu.memory_space<vmem>>) offsets(%dma_start3A_939 : memref<100xi32, #tpu.memory_space<vmem>>) semaphore(%arg17 : memref<!tpu.dma_semaphore, #tpu.memory_space<semaphore_mem>>)
        %add3A_943 = arith.constant 4 : i32
        %add3A_944 = arith.addi %mul3A_354, %add3A_943 : i32
        %mul3A_945 = arith.constant 2 : i32
        %mul3A_946 = arith.muli %mul3A_945, %add3A_944 : i32
        %add3A_947 = arith.addi %mul3A_2, %mul3A_946 : i32
        %add3A_948 = arith.constant 0 : i32
        %add3A_949 = arith.addi %add3A_947, %add3A_948 : i32
        %dma_wait3A_950 = arith.constant 0 : i32
        %dma_wait3A_951 = arith.constant 0 : i32
        %dma_wait3A_952 = tpu.memref_slice %arg10[%dma_wait3A_950, %dma_wait3A_951] : memref<100x32xf32, #tpu.memory_space<vmem>> -> memref<50x32xf32, #tpu.memory_space<vmem>>
        %dma_wait3A_953 = arith.constant 0 : i32
        %dma_wait3A_954 = arith.constant 0 : i32
        %dma_wait3A_955 = tpu.memref_slice %arg4[%add3A_949, %dma_wait3A_953, %dma_wait3A_954] : memref<16384x50x32xf32, #tpu.memory_space<hbm>> -> memref<1x50x32xf32, #tpu.memory_space<hbm>>
        %dma_wait3A_956 = tpu.memref_squeeze %dma_wait3A_955 : memref<1x50x32xf32, #tpu.memory_space<hbm>> -> memref<50x32xf32, #tpu.memory_space<hbm>>
        %dma_wait3A_957 = arith.constant 0 : i32
        %dma_wait3A_958 = arith.constant 0 : i32
        %dma_wait3A_959 = tpu.memref_slice %arg4[%add3A_949, %dma_wait3A_957, %dma_wait3A_958] : memref<16384x50x32xf32, #tpu.memory_space<hbm>> -> memref<1x50x32xf32, #tpu.memory_space<hbm>>
        %dma_wait3A_960 = tpu.memref_squeeze %dma_wait3A_959 : memref<1x50x32xf32, #tpu.memory_space<hbm>> -> memref<50x32xf32, #tpu.memory_space<hbm>>
        %dma_wait3A_961 = arith.constant 0 : i32
        %dma_wait3A_962 = arith.constant 0 : i32
        %dma_wait3A_963 = tpu.memref_slice %arg10[%dma_wait3A_961, %dma_wait3A_962] : memref<100x32xf32, #tpu.memory_space<vmem>> -> memref<50x32xf32, #tpu.memory_space<vmem>>
        tpu.wait_dma2 semaphore(%arg26 : memref<!tpu.dma_semaphore, #tpu.memory_space<semaphore_mem>>) src(%dma_wait3A_963 : memref<50x32xf32, #tpu.memory_space<vmem>>) dst(%dma_wait3A_960 : memref<50x32xf32, #tpu.memory_space<hbm>>)
        %mul3A_964 = arith.constant 2 : i32
        %mul3A_965 = arith.muli %mul3A_964, %add3A_944 : i32
        %add3A_966 = arith.addi %mul3A_2, %mul3A_965 : i32
        %add3A_967 = arith.constant 1 : i32
        %add3A_968 = arith.addi %add3A_966, %add3A_967 : i32
        %dma_wait3A_969 = arith.constant 50 : i32
        %dma_wait3A_970 = arith.constant 0 : i32
        %dma_wait3A_971 = tpu.memref_slice %arg10[%dma_wait3A_969, %dma_wait3A_970] : memref<100x32xf32, #tpu.memory_space<vmem>> -> memref<50x32xf32, #tpu.memory_space<vmem>>
        %dma_wait3A_972 = arith.constant 0 : i32
        %dma_wait3A_973 = arith.constant 0 : i32
        %dma_wait3A_974 = tpu.memref_slice %arg4[%add3A_968, %dma_wait3A_972, %dma_wait3A_973] : memref<16384x50x32xf32, #tpu.memory_space<hbm>> -> memref<1x50x32xf32, #tpu.memory_space<hbm>>
        %dma_wait3A_975 = tpu.memref_squeeze %dma_wait3A_974 : memref<1x50x32xf32, #tpu.memory_space<hbm>> -> memref<50x32xf32, #tpu.memory_space<hbm>>
        %dma_wait3A_976 = arith.constant 0 : i32
        %dma_wait3A_977 = arith.constant 0 : i32
        %dma_wait3A_978 = tpu.memref_slice %arg4[%add3A_968, %dma_wait3A_976, %dma_wait3A_977] : memref<16384x50x32xf32, #tpu.memory_space<hbm>> -> memref<1x50x32xf32, #tpu.memory_space<hbm>>
        %dma_wait3A_979 = tpu.memref_squeeze %dma_wait3A_978 : memref<1x50x32xf32, #tpu.memory_space<hbm>> -> memref<50x32xf32, #tpu.memory_space<hbm>>
        %dma_wait3A_980 = arith.constant 50 : i32
        %dma_wait3A_981 = arith.constant 0 : i32
        %dma_wait3A_982 = tpu.memref_slice %arg10[%dma_wait3A_980, %dma_wait3A_981] : memref<100x32xf32, #tpu.memory_space<vmem>> -> memref<50x32xf32, #tpu.memory_space<vmem>>
        tpu.wait_dma2 semaphore(%arg26 : memref<!tpu.dma_semaphore, #tpu.memory_space<semaphore_mem>>) src(%dma_wait3A_982 : memref<50x32xf32, #tpu.memory_space<vmem>>) dst(%dma_wait3A_979 : memref<50x32xf32, #tpu.memory_space<hbm>>)
        %add3A_983 = arith.constant 8 : i32
        %add3A_984 = arith.addi %mul3A_354, %add3A_983 : i32
        %add3A_985 = arith.constant 4 : i32
        %add3A_986 = arith.addi %add3A_984, %add3A_985 : i32
        %dma_start3A_987 = arith.constant 0 : i32
        %dma_start3A_988 = tpu.memref_slice %arg5[%add3A_986, %dma_start3A_987] : memref<256x100xi32, #tpu.memory_space<vmem>> -> memref<1x100xi32, #tpu.memory_space<vmem>>
        %dma_start3A_989 = tpu.memref_squeeze %dma_start3A_988 : memref<1x100xi32, #tpu.memory_space<vmem>> -> memref<100xi32, #tpu.memory_space<vmem>>
        %dma_start3A_990 = arith.constant 0 : i32
        %dma_start3A_991 = arith.constant 0 : i32
        %dma_start3A_992 = tpu.memref_slice %arg3[%dma_start3A_990, %dma_start3A_991] : memref<1000000x32xf32, #tpu.memory_space<hbm>> -> memref<1000000x32xf32, #tpu.memory_space<hbm>>
        tpu.enqueue_indirect_dma source(%dma_start3A_992 : memref<1000000x32xf32, #tpu.memory_space<hbm>>) target(%arg10 : memref<100x32xf32, #tpu.memory_space<vmem>>) offsets(%dma_start3A_989 : memref<100xi32, #tpu.memory_space<vmem>>) semaphore(%arg18 : memref<!tpu.dma_semaphore, #tpu.memory_space<semaphore_mem>>)
        %add3A_993 = arith.constant 5 : i32
        %add3A_994 = arith.addi %mul3A_354, %add3A_993 : i32
        %mul3A_995 = arith.constant 2 : i32
        %mul3A_996 = arith.muli %mul3A_995, %add3A_994 : i32
        %add3A_997 = arith.addi %mul3A_2, %mul3A_996 : i32
        %add3A_998 = arith.constant 0 : i32
        %add3A_999 = arith.addi %add3A_997, %add3A_998 : i32
        %dma_wait3A_1000 = arith.constant 0 : i32
        %dma_wait3A_1001 = arith.constant 0 : i32
        %dma_wait3A_1002 = tpu.memref_slice %arg11[%dma_wait3A_1000, %dma_wait3A_1001] : memref<100x32xf32, #tpu.memory_space<vmem>> -> memref<50x32xf32, #tpu.memory_space<vmem>>
        %dma_wait3A_1003 = arith.constant 0 : i32
        %dma_wait3A_1004 = arith.constant 0 : i32
        %dma_wait3A_1005 = tpu.memref_slice %arg4[%add3A_999, %dma_wait3A_1003, %dma_wait3A_1004] : memref<16384x50x32xf32, #tpu.memory_space<hbm>> -> memref<1x50x32xf32, #tpu.memory_space<hbm>>
        %dma_wait3A_1006 = tpu.memref_squeeze %dma_wait3A_1005 : memref<1x50x32xf32, #tpu.memory_space<hbm>> -> memref<50x32xf32, #tpu.memory_space<hbm>>
        %dma_wait3A_1007 = arith.constant 0 : i32
        %dma_wait3A_1008 = arith.constant 0 : i32
        %dma_wait3A_1009 = tpu.memref_slice %arg4[%add3A_999, %dma_wait3A_1007, %dma_wait3A_1008] : memref<16384x50x32xf32, #tpu.memory_space<hbm>> -> memref<1x50x32xf32, #tpu.memory_space<hbm>>
        %dma_wait3A_1010 = tpu.memref_squeeze %dma_wait3A_1009 : memref<1x50x32xf32, #tpu.memory_space<hbm>> -> memref<50x32xf32, #tpu.memory_space<hbm>>
        %dma_wait3A_1011 = arith.constant 0 : i32
        %dma_wait3A_1012 = arith.constant 0 : i32
        %dma_wait3A_1013 = tpu.memref_slice %arg11[%dma_wait3A_1011, %dma_wait3A_1012] : memref<100x32xf32, #tpu.memory_space<vmem>> -> memref<50x32xf32, #tpu.memory_space<vmem>>
        tpu.wait_dma2 semaphore(%arg27 : memref<!tpu.dma_semaphore, #tpu.memory_space<semaphore_mem>>) src(%dma_wait3A_1013 : memref<50x32xf32, #tpu.memory_space<vmem>>) dst(%dma_wait3A_1010 : memref<50x32xf32, #tpu.memory_space<hbm>>)
        %mul3A_1014 = arith.constant 2 : i32
        %mul3A_1015 = arith.muli %mul3A_1014, %add3A_994 : i32
        %add3A_1016 = arith.addi %mul3A_2, %mul3A_1015 : i32
        %add3A_1017 = arith.constant 1 : i32
        %add3A_1018 = arith.addi %add3A_1016, %add3A_1017 : i32
        %dma_wait3A_1019 = arith.constant 50 : i32
        %dma_wait3A_1020 = arith.constant 0 : i32
        %dma_wait3A_1021 = tpu.memref_slice %arg11[%dma_wait3A_1019, %dma_wait3A_1020] : memref<100x32xf32, #tpu.memory_space<vmem>> -> memref<50x32xf32, #tpu.memory_space<vmem>>
        %dma_wait3A_1022 = arith.constant 0 : i32
        %dma_wait3A_1023 = arith.constant 0 : i32
        %dma_wait3A_1024 = tpu.memref_slice %arg4[%add3A_1018, %dma_wait3A_1022, %dma_wait3A_1023] : memref<16384x50x32xf32, #tpu.memory_space<hbm>> -> memref<1x50x32xf32, #tpu.memory_space<hbm>>
        %dma_wait3A_1025 = tpu.memref_squeeze %dma_wait3A_1024 : memref<1x50x32xf32, #tpu.memory_space<hbm>> -> memref<50x32xf32, #tpu.memory_space<hbm>>
        %dma_wait3A_1026 = arith.constant 0 : i32
        %dma_wait3A_1027 = arith.constant 0 : i32
        %dma_wait3A_1028 = tpu.memref_slice %arg4[%add3A_1018, %dma_wait3A_1026, %dma_wait3A_1027] : memref<16384x50x32xf32, #tpu.memory_space<hbm>> -> memref<1x50x32xf32, #tpu.memory_space<hbm>>
        %dma_wait3A_1029 = tpu.memref_squeeze %dma_wait3A_1028 : memref<1x50x32xf32, #tpu.memory_space<hbm>> -> memref<50x32xf32, #tpu.memory_space<hbm>>
        %dma_wait3A_1030 = arith.constant 50 : i32
        %dma_wait3A_1031 = arith.constant 0 : i32
        %dma_wait3A_1032 = tpu.memref_slice %arg11[%dma_wait3A_1030, %dma_wait3A_1031] : memref<100x32xf32, #tpu.memory_space<vmem>> -> memref<50x32xf32, #tpu.memory_space<vmem>>
        tpu.wait_dma2 semaphore(%arg27 : memref<!tpu.dma_semaphore, #tpu.memory_space<semaphore_mem>>) src(%dma_wait3A_1032 : memref<50x32xf32, #tpu.memory_space<vmem>>) dst(%dma_wait3A_1029 : memref<50x32xf32, #tpu.memory_space<hbm>>)
        %add3A_1033 = arith.constant 8 : i32
        %add3A_1034 = arith.addi %mul3A_354, %add3A_1033 : i32
        %add3A_1035 = arith.constant 5 : i32
        %add3A_1036 = arith.addi %add3A_1034, %add3A_1035 : i32
        %dma_start3A_1037 = arith.constant 0 : i32
        %dma_start3A_1038 = tpu.memref_slice %arg5[%add3A_1036, %dma_start3A_1037] : memref<256x100xi32, #tpu.memory_space<vmem>> -> memref<1x100xi32, #tpu.memory_space<vmem>>
        %dma_start3A_1039 = tpu.memref_squeeze %dma_start3A_1038 : memref<1x100xi32, #tpu.memory_space<vmem>> -> memref<100xi32, #tpu.memory_space<vmem>>
        %dma_start3A_1040 = arith.constant 0 : i32
        %dma_start3A_1041 = arith.constant 0 : i32
        %dma_start3A_1042 = tpu.memref_slice %arg3[%dma_start3A_1040, %dma_start3A_1041] : memref<1000000x32xf32, #tpu.memory_space<hbm>> -> memref<1000000x32xf32, #tpu.memory_space<hbm>>
        tpu.enqueue_indirect_dma source(%dma_start3A_1042 : memref<1000000x32xf32, #tpu.memory_space<hbm>>) target(%arg11 : memref<100x32xf32, #tpu.memory_space<vmem>>) offsets(%dma_start3A_1039 : memref<100xi32, #tpu.memory_space<vmem>>) semaphore(%arg19 : memref<!tpu.dma_semaphore, #tpu.memory_space<semaphore_mem>>)
        %add3A_1043 = arith.constant 6 : i32
        %add3A_1044 = arith.addi %mul3A_354, %add3A_1043 : i32
        %mul3A_1045 = arith.constant 2 : i32
        %mul3A_1046 = arith.muli %mul3A_1045, %add3A_1044 : i32
        %add3A_1047 = arith.addi %mul3A_2, %mul3A_1046 : i32
        %add3A_1048 = arith.constant 0 : i32
        %add3A_1049 = arith.addi %add3A_1047, %add3A_1048 : i32
        %dma_wait3A_1050 = arith.constant 0 : i32
        %dma_wait3A_1051 = arith.constant 0 : i32
        %dma_wait3A_1052 = tpu.memref_slice %arg12[%dma_wait3A_1050, %dma_wait3A_1051] : memref<100x32xf32, #tpu.memory_space<vmem>> -> memref<50x32xf32, #tpu.memory_space<vmem>>
        %dma_wait3A_1053 = arith.constant 0 : i32
        %dma_wait3A_1054 = arith.constant 0 : i32
        %dma_wait3A_1055 = tpu.memref_slice %arg4[%add3A_1049, %dma_wait3A_1053, %dma_wait3A_1054] : memref<16384x50x32xf32, #tpu.memory_space<hbm>> -> memref<1x50x32xf32, #tpu.memory_space<hbm>>
        %dma_wait3A_1056 = tpu.memref_squeeze %dma_wait3A_1055 : memref<1x50x32xf32, #tpu.memory_space<hbm>> -> memref<50x32xf32, #tpu.memory_space<hbm>>
        %dma_wait3A_1057 = arith.constant 0 : i32
        %dma_wait3A_1058 = arith.constant 0 : i32
        %dma_wait3A_1059 = tpu.memref_slice %arg4[%add3A_1049, %dma_wait3A_1057, %dma_wait3A_1058] : memref<16384x50x32xf32, #tpu.memory_space<hbm>> -> memref<1x50x32xf32, #tpu.memory_space<hbm>>
        %dma_wait3A_1060 = tpu.memref_squeeze %dma_wait3A_1059 : memref<1x50x32xf32, #tpu.memory_space<hbm>> -> memref<50x32xf32, #tpu.memory_space<hbm>>
        %dma_wait3A_1061 = arith.constant 0 : i32
        %dma_wait3A_1062 = arith.constant 0 : i32
        %dma_wait3A_1063 = tpu.memref_slice %arg12[%dma_wait3A_1061, %dma_wait3A_1062] : memref<100x32xf32, #tpu.memory_space<vmem>> -> memref<50x32xf32, #tpu.memory_space<vmem>>
        tpu.wait_dma2 semaphore(%arg28 : memref<!tpu.dma_semaphore, #tpu.memory_space<semaphore_mem>>) src(%dma_wait3A_1063 : memref<50x32xf32, #tpu.memory_space<vmem>>) dst(%dma_wait3A_1060 : memref<50x32xf32, #tpu.memory_space<hbm>>)
        %mul3A_1064 = arith.constant 2 : i32
        %mul3A_1065 = arith.muli %mul3A_1064, %add3A_1044 : i32
        %add3A_1066 = arith.addi %mul3A_2, %mul3A_1065 : i32
        %add3A_1067 = arith.constant 1 : i32
        %add3A_1068 = arith.addi %add3A_1066, %add3A_1067 : i32
        %dma_wait3A_1069 = arith.constant 50 : i32
        %dma_wait3A_1070 = arith.constant 0 : i32
        %dma_wait3A_1071 = tpu.memref_slice %arg12[%dma_wait3A_1069, %dma_wait3A_1070] : memref<100x32xf32, #tpu.memory_space<vmem>> -> memref<50x32xf32, #tpu.memory_space<vmem>>
        %dma_wait3A_1072 = arith.constant 0 : i32
        %dma_wait3A_1073 = arith.constant 0 : i32
        %dma_wait3A_1074 = tpu.memref_slice %arg4[%add3A_1068, %dma_wait3A_1072, %dma_wait3A_1073] : memref<16384x50x32xf32, #tpu.memory_space<hbm>> -> memref<1x50x32xf32, #tpu.memory_space<hbm>>
        %dma_wait3A_1075 = tpu.memref_squeeze %dma_wait3A_1074 : memref<1x50x32xf32, #tpu.memory_space<hbm>> -> memref<50x32xf32, #tpu.memory_space<hbm>>
        %dma_wait3A_1076 = arith.constant 0 : i32
        %dma_wait3A_1077 = arith.constant 0 : i32
        %dma_wait3A_1078 = tpu.memref_slice %arg4[%add3A_1068, %dma_wait3A_1076, %dma_wait3A_1077] : memref<16384x50x32xf32, #tpu.memory_space<hbm>> -> memref<1x50x32xf32, #tpu.memory_space<hbm>>
        %dma_wait3A_1079 = tpu.memref_squeeze %dma_wait3A_1078 : memref<1x50x32xf32, #tpu.memory_space<hbm>> -> memref<50x32xf32, #tpu.memory_space<hbm>>
        %dma_wait3A_1080 = arith.constant 50 : i32
        %dma_wait3A_1081 = arith.constant 0 : i32
        %dma_wait3A_1082 = tpu.memref_slice %arg12[%dma_wait3A_1080, %dma_wait3A_1081] : memref<100x32xf32, #tpu.memory_space<vmem>> -> memref<50x32xf32, #tpu.memory_space<vmem>>
        tpu.wait_dma2 semaphore(%arg28 : memref<!tpu.dma_semaphore, #tpu.memory_space<semaphore_mem>>) src(%dma_wait3A_1082 : memref<50x32xf32, #tpu.memory_space<vmem>>) dst(%dma_wait3A_1079 : memref<50x32xf32, #tpu.memory_space<hbm>>)
        %add3A_1083 = arith.constant 8 : i32
        %add3A_1084 = arith.addi %mul3A_354, %add3A_1083 : i32
        %add3A_1085 = arith.constant 6 : i32
        %add3A_1086 = arith.addi %add3A_1084, %add3A_1085 : i32
        %dma_start3A_1087 = arith.constant 0 : i32
        %dma_start3A_1088 = tpu.memref_slice %arg5[%add3A_1086, %dma_start3A_1087] : memref<256x100xi32, #tpu.memory_space<vmem>> -> memref<1x100xi32, #tpu.memory_space<vmem>>
        %dma_start3A_1089 = tpu.memref_squeeze %dma_start3A_1088 : memref<1x100xi32, #tpu.memory_space<vmem>> -> memref<100xi32, #tpu.memory_space<vmem>>
        %dma_start3A_1090 = arith.constant 0 : i32
        %dma_start3A_1091 = arith.constant 0 : i32
        %dma_start3A_1092 = tpu.memref_slice %arg3[%dma_start3A_1090, %dma_start3A_1091] : memref<1000000x32xf32, #tpu.memory_space<hbm>> -> memref<1000000x32xf32, #tpu.memory_space<hbm>>
        tpu.enqueue_indirect_dma source(%dma_start3A_1092 : memref<1000000x32xf32, #tpu.memory_space<hbm>>) target(%arg12 : memref<100x32xf32, #tpu.memory_space<vmem>>) offsets(%dma_start3A_1089 : memref<100xi32, #tpu.memory_space<vmem>>) semaphore(%arg20 : memref<!tpu.dma_semaphore, #tpu.memory_space<semaphore_mem>>)
        %add3A_1093 = arith.constant 7 : i32
        %add3A_1094 = arith.addi %mul3A_354, %add3A_1093 : i32
        %mul3A_1095 = arith.constant 2 : i32
        %mul3A_1096 = arith.muli %mul3A_1095, %add3A_1094 : i32
        %add3A_1097 = arith.addi %mul3A_2, %mul3A_1096 : i32
        %add3A_1098 = arith.constant 0 : i32
        %add3A_1099 = arith.addi %add3A_1097, %add3A_1098 : i32
        %dma_wait3A_1100 = arith.constant 0 : i32
        %dma_wait3A_1101 = arith.constant 0 : i32
        %dma_wait3A_1102 = tpu.memref_slice %arg13[%dma_wait3A_1100, %dma_wait3A_1101] : memref<100x32xf32, #tpu.memory_space<vmem>> -> memref<50x32xf32, #tpu.memory_space<vmem>>
        %dma_wait3A_1103 = arith.constant 0 : i32
        %dma_wait3A_1104 = arith.constant 0 : i32
        %dma_wait3A_1105 = tpu.memref_slice %arg4[%add3A_1099, %dma_wait3A_1103, %dma_wait3A_1104] : memref<16384x50x32xf32, #tpu.memory_space<hbm>> -> memref<1x50x32xf32, #tpu.memory_space<hbm>>
        %dma_wait3A_1106 = tpu.memref_squeeze %dma_wait3A_1105 : memref<1x50x32xf32, #tpu.memory_space<hbm>> -> memref<50x32xf32, #tpu.memory_space<hbm>>
        %dma_wait3A_1107 = arith.constant 0 : i32
        %dma_wait3A_1108 = arith.constant 0 : i32
        %dma_wait3A_1109 = tpu.memref_slice %arg4[%add3A_1099, %dma_wait3A_1107, %dma_wait3A_1108] : memref<16384x50x32xf32, #tpu.memory_space<hbm>> -> memref<1x50x32xf32, #tpu.memory_space<hbm>>
        %dma_wait3A_1110 = tpu.memref_squeeze %dma_wait3A_1109 : memref<1x50x32xf32, #tpu.memory_space<hbm>> -> memref<50x32xf32, #tpu.memory_space<hbm>>
        %dma_wait3A_1111 = arith.constant 0 : i32
        %dma_wait3A_1112 = arith.constant 0 : i32
        %dma_wait3A_1113 = tpu.memref_slice %arg13[%dma_wait3A_1111, %dma_wait3A_1112] : memref<100x32xf32, #tpu.memory_space<vmem>> -> memref<50x32xf32, #tpu.memory_space<vmem>>
        tpu.wait_dma2 semaphore(%arg29 : memref<!tpu.dma_semaphore, #tpu.memory_space<semaphore_mem>>) src(%dma_wait3A_1113 : memref<50x32xf32, #tpu.memory_space<vmem>>) dst(%dma_wait3A_1110 : memref<50x32xf32, #tpu.memory_space<hbm>>)
        %mul3A_1114 = arith.constant 2 : i32
        %mul3A_1115 = arith.muli %mul3A_1114, %add3A_1094 : i32
        %add3A_1116 = arith.addi %mul3A_2, %mul3A_1115 : i32
        %add3A_1117 = arith.constant 1 : i32
        %add3A_1118 = arith.addi %add3A_1116, %add3A_1117 : i32
        %dma_wait3A_1119 = arith.constant 50 : i32
        %dma_wait3A_1120 = arith.constant 0 : i32
        %dma_wait3A_1121 = tpu.memref_slice %arg13[%dma_wait3A_1119, %dma_wait3A_1120] : memref<100x32xf32, #tpu.memory_space<vmem>> -> memref<50x32xf32, #tpu.memory_space<vmem>>
        %dma_wait3A_1122 = arith.constant 0 : i32
        %dma_wait3A_1123 = arith.constant 0 : i32
        %dma_wait3A_1124 = tpu.memref_slice %arg4[%add3A_1118, %dma_wait3A_1122, %dma_wait3A_1123] : memref<16384x50x32xf32, #tpu.memory_space<hbm>> -> memref<1x50x32xf32, #tpu.memory_space<hbm>>
        %dma_wait3A_1125 = tpu.memref_squeeze %dma_wait3A_1124 : memref<1x50x32xf32, #tpu.memory_space<hbm>> -> memref<50x32xf32, #tpu.memory_space<hbm>>
        %dma_wait3A_1126 = arith.constant 0 : i32
        %dma_wait3A_1127 = arith.constant 0 : i32
        %dma_wait3A_1128 = tpu.memref_slice %arg4[%add3A_1118, %dma_wait3A_1126, %dma_wait3A_1127] : memref<16384x50x32xf32, #tpu.memory_space<hbm>> -> memref<1x50x32xf32, #tpu.memory_space<hbm>>
        %dma_wait3A_1129 = tpu.memref_squeeze %dma_wait3A_1128 : memref<1x50x32xf32, #tpu.memory_space<hbm>> -> memref<50x32xf32, #tpu.memory_space<hbm>>
        %dma_wait3A_1130 = arith.constant 50 : i32
        %dma_wait3A_1131 = arith.constant 0 : i32
        %dma_wait3A_1132 = tpu.memref_slice %arg13[%dma_wait3A_1130, %dma_wait3A_1131] : memref<100x32xf32, #tpu.memory_space<vmem>> -> memref<50x32xf32, #tpu.memory_space<vmem>>
        tpu.wait_dma2 semaphore(%arg29 : memref<!tpu.dma_semaphore, #tpu.memory_space<semaphore_mem>>) src(%dma_wait3A_1132 : memref<50x32xf32, #tpu.memory_space<vmem>>) dst(%dma_wait3A_1129 : memref<50x32xf32, #tpu.memory_space<hbm>>)
        %add3A_1133 = arith.constant 8 : i32
        %add3A_1134 = arith.addi %mul3A_354, %add3A_1133 : i32
        %add3A_1135 = arith.constant 7 : i32
        %add3A_1136 = arith.addi %add3A_1134, %add3A_1135 : i32
        %dma_start3A_1137 = arith.constant 0 : i32
        %dma_start3A_1138 = tpu.memref_slice %arg5[%add3A_1136, %dma_start3A_1137] : memref<256x100xi32, #tpu.memory_space<vmem>> -> memref<1x100xi32, #tpu.memory_space<vmem>>
        %dma_start3A_1139 = tpu.memref_squeeze %dma_start3A_1138 : memref<1x100xi32, #tpu.memory_space<vmem>> -> memref<100xi32, #tpu.memory_space<vmem>>
        %dma_start3A_1140 = arith.constant 0 : i32
        %dma_start3A_1141 = arith.constant 0 : i32
        %dma_start3A_1142 = tpu.memref_slice %arg3[%dma_start3A_1140, %dma_start3A_1141] : memref<1000000x32xf32, #tpu.memory_space<hbm>> -> memref<1000000x32xf32, #tpu.memory_space<hbm>>
        tpu.enqueue_indirect_dma source(%dma_start3A_1142 : memref<1000000x32xf32, #tpu.memory_space<hbm>>) target(%arg13 : memref<100x32xf32, #tpu.memory_space<vmem>>) offsets(%dma_start3A_1139 : memref<100xi32, #tpu.memory_space<vmem>>) semaphore(%arg21 : memref<!tpu.dma_semaphore, #tpu.memory_space<semaphore_mem>>)
      } else {
      }
    }
    %scan3A_64 = arith.constant 32 : i32
    %add3A_65 = arith.constant 496 : i32
    %add3A_66 = arith.addi %mul3A_2, %add3A_65 : i32
    %add3A_67 = arith.constant 0 : i32
    %add3A_68 = arith.addi %add3A_66, %add3A_67 : i32
    %dma_wait3A = arith.constant 0 : i32
    %dma_wait3A_69 = arith.constant 0 : i32
    %dma_wait3A_70 = tpu.memref_slice %arg6[%dma_wait3A, %dma_wait3A_69] : memref<100x32xf32, #tpu.memory_space<vmem>> -> memref<50x32xf32, #tpu.memory_space<vmem>>
    %dma_wait3A_71 = arith.constant 0 : i32
    %dma_wait3A_72 = arith.constant 0 : i32
    %dma_wait3A_73 = tpu.memref_slice %arg4[%add3A_68, %dma_wait3A_71, %dma_wait3A_72] : memref<16384x50x32xf32, #tpu.memory_space<hbm>> -> memref<1x50x32xf32, #tpu.memory_space<hbm>>
    %dma_wait3A_74 = tpu.memref_squeeze %dma_wait3A_73 : memref<1x50x32xf32, #tpu.memory_space<hbm>> -> memref<50x32xf32, #tpu.memory_space<hbm>>
    %dma_wait3A_75 = arith.constant 0 : i32
    %dma_wait3A_76 = arith.constant 0 : i32
    %dma_wait3A_77 = tpu.memref_slice %arg4[%add3A_68, %dma_wait3A_75, %dma_wait3A_76] : memref<16384x50x32xf32, #tpu.memory_space<hbm>> -> memref<1x50x32xf32, #tpu.memory_space<hbm>>
    %dma_wait3A_78 = tpu.memref_squeeze %dma_wait3A_77 : memref<1x50x32xf32, #tpu.memory_space<hbm>> -> memref<50x32xf32, #tpu.memory_space<hbm>>
    %dma_wait3A_79 = arith.constant 0 : i32
    %dma_wait3A_80 = arith.constant 0 : i32
    %dma_wait3A_81 = tpu.memref_slice %arg6[%dma_wait3A_79, %dma_wait3A_80] : memref<100x32xf32, #tpu.memory_space<vmem>> -> memref<50x32xf32, #tpu.memory_space<vmem>>
    tpu.wait_dma2 semaphore(%arg22 : memref<!tpu.dma_semaphore, #tpu.memory_space<semaphore_mem>>) src(%dma_wait3A_81 : memref<50x32xf32, #tpu.memory_space<vmem>>) dst(%dma_wait3A_78 : memref<50x32xf32, #tpu.memory_space<hbm>>)
    %add3A_82 = arith.constant 496 : i32
    %add3A_83 = arith.addi %mul3A_2, %add3A_82 : i32
    %add3A_84 = arith.constant 1 : i32
    %add3A_85 = arith.addi %add3A_83, %add3A_84 : i32
    %dma_wait3A_86 = arith.constant 50 : i32
    %dma_wait3A_87 = arith.constant 0 : i32
    %dma_wait3A_88 = tpu.memref_slice %arg6[%dma_wait3A_86, %dma_wait3A_87] : memref<100x32xf32, #tpu.memory_space<vmem>> -> memref<50x32xf32, #tpu.memory_space<vmem>>
    %dma_wait3A_89 = arith.constant 0 : i32
    %dma_wait3A_90 = arith.constant 0 : i32
    %dma_wait3A_91 = tpu.memref_slice %arg4[%add3A_85, %dma_wait3A_89, %dma_wait3A_90] : memref<16384x50x32xf32, #tpu.memory_space<hbm>> -> memref<1x50x32xf32, #tpu.memory_space<hbm>>
    %dma_wait3A_92 = tpu.memref_squeeze %dma_wait3A_91 : memref<1x50x32xf32, #tpu.memory_space<hbm>> -> memref<50x32xf32, #tpu.memory_space<hbm>>
    %dma_wait3A_93 = arith.constant 0 : i32
    %dma_wait3A_94 = arith.constant 0 : i32
    %dma_wait3A_95 = tpu.memref_slice %arg4[%add3A_85, %dma_wait3A_93, %dma_wait3A_94] : memref<16384x50x32xf32, #tpu.memory_space<hbm>> -> memref<1x50x32xf32, #tpu.memory_space<hbm>>
    %dma_wait3A_96 = tpu.memref_squeeze %dma_wait3A_95 : memref<1x50x32xf32, #tpu.memory_space<hbm>> -> memref<50x32xf32, #tpu.memory_space<hbm>>
    %dma_wait3A_97 = arith.constant 50 : i32
    %dma_wait3A_98 = arith.constant 0 : i32
    %dma_wait3A_99 = tpu.memref_slice %arg6[%dma_wait3A_97, %dma_wait3A_98] : memref<100x32xf32, #tpu.memory_space<vmem>> -> memref<50x32xf32, #tpu.memory_space<vmem>>
    tpu.wait_dma2 semaphore(%arg22 : memref<!tpu.dma_semaphore, #tpu.memory_space<semaphore_mem>>) src(%dma_wait3A_99 : memref<50x32xf32, #tpu.memory_space<vmem>>) dst(%dma_wait3A_96 : memref<50x32xf32, #tpu.memory_space<hbm>>)
    %add3A_100 = arith.constant 498 : i32
    %add3A_101 = arith.addi %mul3A_2, %add3A_100 : i32
    %add3A_102 = arith.constant 0 : i32
    %add3A_103 = arith.addi %add3A_101, %add3A_102 : i32
    %dma_wait3A_104 = arith.constant 0 : i32
    %dma_wait3A_105 = arith.constant 0 : i32
    %dma_wait3A_106 = tpu.memref_slice %arg7[%dma_wait3A_104, %dma_wait3A_105] : memref<100x32xf32, #tpu.memory_space<vmem>> -> memref<50x32xf32, #tpu.memory_space<vmem>>
    %dma_wait3A_107 = arith.constant 0 : i32
    %dma_wait3A_108 = arith.constant 0 : i32
    %dma_wait3A_109 = tpu.memref_slice %arg4[%add3A_103, %dma_wait3A_107, %dma_wait3A_108] : memref<16384x50x32xf32, #tpu.memory_space<hbm>> -> memref<1x50x32xf32, #tpu.memory_space<hbm>>
    %dma_wait3A_110 = tpu.memref_squeeze %dma_wait3A_109 : memref<1x50x32xf32, #tpu.memory_space<hbm>> -> memref<50x32xf32, #tpu.memory_space<hbm>>
    %dma_wait3A_111 = arith.constant 0 : i32
    %dma_wait3A_112 = arith.constant 0 : i32
    %dma_wait3A_113 = tpu.memref_slice %arg4[%add3A_103, %dma_wait3A_111, %dma_wait3A_112] : memref<16384x50x32xf32, #tpu.memory_space<hbm>> -> memref<1x50x32xf32, #tpu.memory_space<hbm>>
    %dma_wait3A_114 = tpu.memref_squeeze %dma_wait3A_113 : memref<1x50x32xf32, #tpu.memory_space<hbm>> -> memref<50x32xf32, #tpu.memory_space<hbm>>
    %dma_wait3A_115 = arith.constant 0 : i32
    %dma_wait3A_116 = arith.constant 0 : i32
    %dma_wait3A_117 = tpu.memref_slice %arg7[%dma_wait3A_115, %dma_wait3A_116] : memref<100x32xf32, #tpu.memory_space<vmem>> -> memref<50x32xf32, #tpu.memory_space<vmem>>
    tpu.wait_dma2 semaphore(%arg23 : memref<!tpu.dma_semaphore, #tpu.memory_space<semaphore_mem>>) src(%dma_wait3A_117 : memref<50x32xf32, #tpu.memory_space<vmem>>) dst(%dma_wait3A_114 : memref<50x32xf32, #tpu.memory_space<hbm>>)
    %add3A_118 = arith.constant 498 : i32
    %add3A_119 = arith.addi %mul3A_2, %add3A_118 : i32
    %add3A_120 = arith.constant 1 : i32
    %add3A_121 = arith.addi %add3A_119, %add3A_120 : i32
    %dma_wait3A_122 = arith.constant 50 : i32
    %dma_wait3A_123 = arith.constant 0 : i32
    %dma_wait3A_124 = tpu.memref_slice %arg7[%dma_wait3A_122, %dma_wait3A_123] : memref<100x32xf32, #tpu.memory_space<vmem>> -> memref<50x32xf32, #tpu.memory_space<vmem>>
    %dma_wait3A_125 = arith.constant 0 : i32
    %dma_wait3A_126 = arith.constant 0 : i32
    %dma_wait3A_127 = tpu.memref_slice %arg4[%add3A_121, %dma_wait3A_125, %dma_wait3A_126] : memref<16384x50x32xf32, #tpu.memory_space<hbm>> -> memref<1x50x32xf32, #tpu.memory_space<hbm>>
    %dma_wait3A_128 = tpu.memref_squeeze %dma_wait3A_127 : memref<1x50x32xf32, #tpu.memory_space<hbm>> -> memref<50x32xf32, #tpu.memory_space<hbm>>
    %dma_wait3A_129 = arith.constant 0 : i32
    %dma_wait3A_130 = arith.constant 0 : i32
    %dma_wait3A_131 = tpu.memref_slice %arg4[%add3A_121, %dma_wait3A_129, %dma_wait3A_130] : memref<16384x50x32xf32, #tpu.memory_space<hbm>> -> memref<1x50x32xf32, #tpu.memory_space<hbm>>
    %dma_wait3A_132 = tpu.memref_squeeze %dma_wait3A_131 : memref<1x50x32xf32, #tpu.memory_space<hbm>> -> memref<50x32xf32, #tpu.memory_space<hbm>>
    %dma_wait3A_133 = arith.constant 50 : i32
    %dma_wait3A_134 = arith.constant 0 : i32
    %dma_wait3A_135 = tpu.memref_slice %arg7[%dma_wait3A_133, %dma_wait3A_134] : memref<100x32xf32, #tpu.memory_space<vmem>> -> memref<50x32xf32, #tpu.memory_space<vmem>>
    tpu.wait_dma2 semaphore(%arg23 : memref<!tpu.dma_semaphore, #tpu.memory_space<semaphore_mem>>) src(%dma_wait3A_135 : memref<50x32xf32, #tpu.memory_space<vmem>>) dst(%dma_wait3A_132 : memref<50x32xf32, #tpu.memory_space<hbm>>)
    %add3A_136 = arith.constant 500 : i32
    %add3A_137 = arith.addi %mul3A_2, %add3A_136 : i32
    %add3A_138 = arith.constant 0 : i32
    %add3A_139 = arith.addi %add3A_137, %add3A_138 : i32
    %dma_wait3A_140 = arith.constant 0 : i32
    %dma_wait3A_141 = arith.constant 0 : i32
    %dma_wait3A_142 = tpu.memref_slice %arg8[%dma_wait3A_140, %dma_wait3A_141] : memref<100x32xf32, #tpu.memory_space<vmem>> -> memref<50x32xf32, #tpu.memory_space<vmem>>
    %dma_wait3A_143 = arith.constant 0 : i32
    %dma_wait3A_144 = arith.constant 0 : i32
    %dma_wait3A_145 = tpu.memref_slice %arg4[%add3A_139, %dma_wait3A_143, %dma_wait3A_144] : memref<16384x50x32xf32, #tpu.memory_space<hbm>> -> memref<1x50x32xf32, #tpu.memory_space<hbm>>
    %dma_wait3A_146 = tpu.memref_squeeze %dma_wait3A_145 : memref<1x50x32xf32, #tpu.memory_space<hbm>> -> memref<50x32xf32, #tpu.memory_space<hbm>>
    %dma_wait3A_147 = arith.constant 0 : i32
    %dma_wait3A_148 = arith.constant 0 : i32
    %dma_wait3A_149 = tpu.memref_slice %arg4[%add3A_139, %dma_wait3A_147, %dma_wait3A_148] : memref<16384x50x32xf32, #tpu.memory_space<hbm>> -> memref<1x50x32xf32, #tpu.memory_space<hbm>>
    %dma_wait3A_150 = tpu.memref_squeeze %dma_wait3A_149 : memref<1x50x32xf32, #tpu.memory_space<hbm>> -> memref<50x32xf32, #tpu.memory_space<hbm>>
    %dma_wait3A_151 = arith.constant 0 : i32
    %dma_wait3A_152 = arith.constant 0 : i32
    %dma_wait3A_153 = tpu.memref_slice %arg8[%dma_wait3A_151, %dma_wait3A_152] : memref<100x32xf32, #tpu.memory_space<vmem>> -> memref<50x32xf32, #tpu.memory_space<vmem>>
    tpu.wait_dma2 semaphore(%arg24 : memref<!tpu.dma_semaphore, #tpu.memory_space<semaphore_mem>>) src(%dma_wait3A_153 : memref<50x32xf32, #tpu.memory_space<vmem>>) dst(%dma_wait3A_150 : memref<50x32xf32, #tpu.memory_space<hbm>>)
    %add3A_154 = arith.constant 500 : i32
    %add3A_155 = arith.addi %mul3A_2, %add3A_154 : i32
    %add3A_156 = arith.constant 1 : i32
    %add3A_157 = arith.addi %add3A_155, %add3A_156 : i32
    %dma_wait3A_158 = arith.constant 50 : i32
    %dma_wait3A_159 = arith.constant 0 : i32
    %dma_wait3A_160 = tpu.memref_slice %arg8[%dma_wait3A_158, %dma_wait3A_159] : memref<100x32xf32, #tpu.memory_space<vmem>> -> memref<50x32xf32, #tpu.memory_space<vmem>>
    %dma_wait3A_161 = arith.constant 0 : i32
    %dma_wait3A_162 = arith.constant 0 : i32
    %dma_wait3A_163 = tpu.memref_slice %arg4[%add3A_157, %dma_wait3A_161, %dma_wait3A_162] : memref<16384x50x32xf32, #tpu.memory_space<hbm>> -> memref<1x50x32xf32, #tpu.memory_space<hbm>>
    %dma_wait3A_164 = tpu.memref_squeeze %dma_wait3A_163 : memref<1x50x32xf32, #tpu.memory_space<hbm>> -> memref<50x32xf32, #tpu.memory_space<hbm>>
    %dma_wait3A_165 = arith.constant 0 : i32
    %dma_wait3A_166 = arith.constant 0 : i32
    %dma_wait3A_167 = tpu.memref_slice %arg4[%add3A_157, %dma_wait3A_165, %dma_wait3A_166] : memref<16384x50x32xf32, #tpu.memory_space<hbm>> -> memref<1x50x32xf32, #tpu.memory_space<hbm>>
    %dma_wait3A_168 = tpu.memref_squeeze %dma_wait3A_167 : memref<1x50x32xf32, #tpu.memory_space<hbm>> -> memref<50x32xf32, #tpu.memory_space<hbm>>
    %dma_wait3A_169 = arith.constant 50 : i32
    %dma_wait3A_170 = arith.constant 0 : i32
    %dma_wait3A_171 = tpu.memref_slice %arg8[%dma_wait3A_169, %dma_wait3A_170] : memref<100x32xf32, #tpu.memory_space<vmem>> -> memref<50x32xf32, #tpu.memory_space<vmem>>
    tpu.wait_dma2 semaphore(%arg24 : memref<!tpu.dma_semaphore, #tpu.memory_space<semaphore_mem>>) src(%dma_wait3A_171 : memref<50x32xf32, #tpu.memory_space<vmem>>) dst(%dma_wait3A_168 : memref<50x32xf32, #tpu.memory_space<hbm>>)
    %add3A_172 = arith.constant 502 : i32
    %add3A_173 = arith.addi %mul3A_2, %add3A_172 : i32
    %add3A_174 = arith.constant 0 : i32
    %add3A_175 = arith.addi %add3A_173, %add3A_174 : i32
    %dma_wait3A_176 = arith.constant 0 : i32
    %dma_wait3A_177 = arith.constant 0 : i32
    %dma_wait3A_178 = tpu.memref_slice %arg9[%dma_wait3A_176, %dma_wait3A_177] : memref<100x32xf32, #tpu.memory_space<vmem>> -> memref<50x32xf32, #tpu.memory_space<vmem>>
    %dma_wait3A_179 = arith.constant 0 : i32
    %dma_wait3A_180 = arith.constant 0 : i32
    %dma_wait3A_181 = tpu.memref_slice %arg4[%add3A_175, %dma_wait3A_179, %dma_wait3A_180] : memref<16384x50x32xf32, #tpu.memory_space<hbm>> -> memref<1x50x32xf32, #tpu.memory_space<hbm>>
    %dma_wait3A_182 = tpu.memref_squeeze %dma_wait3A_181 : memref<1x50x32xf32, #tpu.memory_space<hbm>> -> memref<50x32xf32, #tpu.memory_space<hbm>>
    %dma_wait3A_183 = arith.constant 0 : i32
    %dma_wait3A_184 = arith.constant 0 : i32
    %dma_wait3A_185 = tpu.memref_slice %arg4[%add3A_175, %dma_wait3A_183, %dma_wait3A_184] : memref<16384x50x32xf32, #tpu.memory_space<hbm>> -> memref<1x50x32xf32, #tpu.memory_space<hbm>>
    %dma_wait3A_186 = tpu.memref_squeeze %dma_wait3A_185 : memref<1x50x32xf32, #tpu.memory_space<hbm>> -> memref<50x32xf32, #tpu.memory_space<hbm>>
    %dma_wait3A_187 = arith.constant 0 : i32
    %dma_wait3A_188 = arith.constant 0 : i32
    %dma_wait3A_189 = tpu.memref_slice %arg9[%dma_wait3A_187, %dma_wait3A_188] : memref<100x32xf32, #tpu.memory_space<vmem>> -> memref<50x32xf32, #tpu.memory_space<vmem>>
    tpu.wait_dma2 semaphore(%arg25 : memref<!tpu.dma_semaphore, #tpu.memory_space<semaphore_mem>>) src(%dma_wait3A_189 : memref<50x32xf32, #tpu.memory_space<vmem>>) dst(%dma_wait3A_186 : memref<50x32xf32, #tpu.memory_space<hbm>>)
    %add3A_190 = arith.constant 502 : i32
    %add3A_191 = arith.addi %mul3A_2, %add3A_190 : i32
    %add3A_192 = arith.constant 1 : i32
    %add3A_193 = arith.addi %add3A_191, %add3A_192 : i32
    %dma_wait3A_194 = arith.constant 50 : i32
    %dma_wait3A_195 = arith.constant 0 : i32
    %dma_wait3A_196 = tpu.memref_slice %arg9[%dma_wait3A_194, %dma_wait3A_195] : memref<100x32xf32, #tpu.memory_space<vmem>> -> memref<50x32xf32, #tpu.memory_space<vmem>>
    %dma_wait3A_197 = arith.constant 0 : i32
    %dma_wait3A_198 = arith.constant 0 : i32
    %dma_wait3A_199 = tpu.memref_slice %arg4[%add3A_193, %dma_wait3A_197, %dma_wait3A_198] : memref<16384x50x32xf32, #tpu.memory_space<hbm>> -> memref<1x50x32xf32, #tpu.memory_space<hbm>>
    %dma_wait3A_200 = tpu.memref_squeeze %dma_wait3A_199 : memref<1x50x32xf32, #tpu.memory_space<hbm>> -> memref<50x32xf32, #tpu.memory_space<hbm>>
    %dma_wait3A_201 = arith.constant 0 : i32
    %dma_wait3A_202 = arith.constant 0 : i32
    %dma_wait3A_203 = tpu.memref_slice %arg4[%add3A_193, %dma_wait3A_201, %dma_wait3A_202] : memref<16384x50x32xf32, #tpu.memory_space<hbm>> -> memref<1x50x32xf32, #tpu.memory_space<hbm>>
    %dma_wait3A_204 = tpu.memref_squeeze %dma_wait3A_203 : memref<1x50x32xf32, #tpu.memory_space<hbm>> -> memref<50x32xf32, #tpu.memory_space<hbm>>
    %dma_wait3A_205 = arith.constant 50 : i32
    %dma_wait3A_206 = arith.constant 0 : i32
    %dma_wait3A_207 = tpu.memref_slice %arg9[%dma_wait3A_205, %dma_wait3A_206] : memref<100x32xf32, #tpu.memory_space<vmem>> -> memref<50x32xf32, #tpu.memory_space<vmem>>
    tpu.wait_dma2 semaphore(%arg25 : memref<!tpu.dma_semaphore, #tpu.memory_space<semaphore_mem>>) src(%dma_wait3A_207 : memref<50x32xf32, #tpu.memory_space<vmem>>) dst(%dma_wait3A_204 : memref<50x32xf32, #tpu.memory_space<hbm>>)
    %add3A_208 = arith.constant 504 : i32
    %add3A_209 = arith.addi %mul3A_2, %add3A_208 : i32
    %add3A_210 = arith.constant 0 : i32
    %add3A_211 = arith.addi %add3A_209, %add3A_210 : i32
    %dma_wait3A_212 = arith.constant 0 : i32
    %dma_wait3A_213 = arith.constant 0 : i32
    %dma_wait3A_214 = tpu.memref_slice %arg10[%dma_wait3A_212, %dma_wait3A_213] : memref<100x32xf32, #tpu.memory_space<vmem>> -> memref<50x32xf32, #tpu.memory_space<vmem>>
    %dma_wait3A_215 = arith.constant 0 : i32
    %dma_wait3A_216 = arith.constant 0 : i32
    %dma_wait3A_217 = tpu.memref_slice %arg4[%add3A_211, %dma_wait3A_215, %dma_wait3A_216] : memref<16384x50x32xf32, #tpu.memory_space<hbm>> -> memref<1x50x32xf32, #tpu.memory_space<hbm>>
    %dma_wait3A_218 = tpu.memref_squeeze %dma_wait3A_217 : memref<1x50x32xf32, #tpu.memory_space<hbm>> -> memref<50x32xf32, #tpu.memory_space<hbm>>
    %dma_wait3A_219 = arith.constant 0 : i32
    %dma_wait3A_220 = arith.constant 0 : i32
    %dma_wait3A_221 = tpu.memref_slice %arg4[%add3A_211, %dma_wait3A_219, %dma_wait3A_220] : memref<16384x50x32xf32, #tpu.memory_space<hbm>> -> memref<1x50x32xf32, #tpu.memory_space<hbm>>
    %dma_wait3A_222 = tpu.memref_squeeze %dma_wait3A_221 : memref<1x50x32xf32, #tpu.memory_space<hbm>> -> memref<50x32xf32, #tpu.memory_space<hbm>>
    %dma_wait3A_223 = arith.constant 0 : i32
    %dma_wait3A_224 = arith.constant 0 : i32
    %dma_wait3A_225 = tpu.memref_slice %arg10[%dma_wait3A_223, %dma_wait3A_224] : memref<100x32xf32, #tpu.memory_space<vmem>> -> memref<50x32xf32, #tpu.memory_space<vmem>>
    tpu.wait_dma2 semaphore(%arg26 : memref<!tpu.dma_semaphore, #tpu.memory_space<semaphore_mem>>) src(%dma_wait3A_225 : memref<50x32xf32, #tpu.memory_space<vmem>>) dst(%dma_wait3A_222 : memref<50x32xf32, #tpu.memory_space<hbm>>)
    %add3A_226 = arith.constant 504 : i32
    %add3A_227 = arith.addi %mul3A_2, %add3A_226 : i32
    %add3A_228 = arith.constant 1 : i32
    %add3A_229 = arith.addi %add3A_227, %add3A_228 : i32
    %dma_wait3A_230 = arith.constant 50 : i32
    %dma_wait3A_231 = arith.constant 0 : i32
    %dma_wait3A_232 = tpu.memref_slice %arg10[%dma_wait3A_230, %dma_wait3A_231] : memref<100x32xf32, #tpu.memory_space<vmem>> -> memref<50x32xf32, #tpu.memory_space<vmem>>
    %dma_wait3A_233 = arith.constant 0 : i32
    %dma_wait3A_234 = arith.constant 0 : i32
    %dma_wait3A_235 = tpu.memref_slice %arg4[%add3A_229, %dma_wait3A_233, %dma_wait3A_234] : memref<16384x50x32xf32, #tpu.memory_space<hbm>> -> memref<1x50x32xf32, #tpu.memory_space<hbm>>
    %dma_wait3A_236 = tpu.memref_squeeze %dma_wait3A_235 : memref<1x50x32xf32, #tpu.memory_space<hbm>> -> memref<50x32xf32, #tpu.memory_space<hbm>>
    %dma_wait3A_237 = arith.constant 0 : i32
    %dma_wait3A_238 = arith.constant 0 : i32
    %dma_wait3A_239 = tpu.memref_slice %arg4[%add3A_229, %dma_wait3A_237, %dma_wait3A_238] : memref<16384x50x32xf32, #tpu.memory_space<hbm>> -> memref<1x50x32xf32, #tpu.memory_space<hbm>>
    %dma_wait3A_240 = tpu.memref_squeeze %dma_wait3A_239 : memref<1x50x32xf32, #tpu.memory_space<hbm>> -> memref<50x32xf32, #tpu.memory_space<hbm>>
    %dma_wait3A_241 = arith.constant 50 : i32
    %dma_wait3A_242 = arith.constant 0 : i32
    %dma_wait3A_243 = tpu.memref_slice %arg10[%dma_wait3A_241, %dma_wait3A_242] : memref<100x32xf32, #tpu.memory_space<vmem>> -> memref<50x32xf32, #tpu.memory_space<vmem>>
    tpu.wait_dma2 semaphore(%arg26 : memref<!tpu.dma_semaphore, #tpu.memory_space<semaphore_mem>>) src(%dma_wait3A_243 : memref<50x32xf32, #tpu.memory_space<vmem>>) dst(%dma_wait3A_240 : memref<50x32xf32, #tpu.memory_space<hbm>>)
    %add3A_244 = arith.constant 506 : i32
    %add3A_245 = arith.addi %mul3A_2, %add3A_244 : i32
    %add3A_246 = arith.constant 0 : i32
    %add3A_247 = arith.addi %add3A_245, %add3A_246 : i32
    %dma_wait3A_248 = arith.constant 0 : i32
    %dma_wait3A_249 = arith.constant 0 : i32
    %dma_wait3A_250 = tpu.memref_slice %arg11[%dma_wait3A_248, %dma_wait3A_249] : memref<100x32xf32, #tpu.memory_space<vmem>> -> memref<50x32xf32, #tpu.memory_space<vmem>>
    %dma_wait3A_251 = arith.constant 0 : i32
    %dma_wait3A_252 = arith.constant 0 : i32
    %dma_wait3A_253 = tpu.memref_slice %arg4[%add3A_247, %dma_wait3A_251, %dma_wait3A_252] : memref<16384x50x32xf32, #tpu.memory_space<hbm>> -> memref<1x50x32xf32, #tpu.memory_space<hbm>>
    %dma_wait3A_254 = tpu.memref_squeeze %dma_wait3A_253 : memref<1x50x32xf32, #tpu.memory_space<hbm>> -> memref<50x32xf32, #tpu.memory_space<hbm>>
    %dma_wait3A_255 = arith.constant 0 : i32
    %dma_wait3A_256 = arith.constant 0 : i32
    %dma_wait3A_257 = tpu.memref_slice %arg4[%add3A_247, %dma_wait3A_255, %dma_wait3A_256] : memref<16384x50x32xf32, #tpu.memory_space<hbm>> -> memref<1x50x32xf32, #tpu.memory_space<hbm>>
    %dma_wait3A_258 = tpu.memref_squeeze %dma_wait3A_257 : memref<1x50x32xf32, #tpu.memory_space<hbm>> -> memref<50x32xf32, #tpu.memory_space<hbm>>
    %dma_wait3A_259 = arith.constant 0 : i32
    %dma_wait3A_260 = arith.constant 0 : i32
    %dma_wait3A_261 = tpu.memref_slice %arg11[%dma_wait3A_259, %dma_wait3A_260] : memref<100x32xf32, #tpu.memory_space<vmem>> -> memref<50x32xf32, #tpu.memory_space<vmem>>
    tpu.wait_dma2 semaphore(%arg27 : memref<!tpu.dma_semaphore, #tpu.memory_space<semaphore_mem>>) src(%dma_wait3A_261 : memref<50x32xf32, #tpu.memory_space<vmem>>) dst(%dma_wait3A_258 : memref<50x32xf32, #tpu.memory_space<hbm>>)
    %add3A_262 = arith.constant 506 : i32
    %add3A_263 = arith.addi %mul3A_2, %add3A_262 : i32
    %add3A_264 = arith.constant 1 : i32
    %add3A_265 = arith.addi %add3A_263, %add3A_264 : i32
    %dma_wait3A_266 = arith.constant 50 : i32
    %dma_wait3A_267 = arith.constant 0 : i32
    %dma_wait3A_268 = tpu.memref_slice %arg11[%dma_wait3A_266, %dma_wait3A_267] : memref<100x32xf32, #tpu.memory_space<vmem>> -> memref<50x32xf32, #tpu.memory_space<vmem>>
    %dma_wait3A_269 = arith.constant 0 : i32
    %dma_wait3A_270 = arith.constant 0 : i32
    %dma_wait3A_271 = tpu.memref_slice %arg4[%add3A_265, %dma_wait3A_269, %dma_wait3A_270] : memref<16384x50x32xf32, #tpu.memory_space<hbm>> -> memref<1x50x32xf32, #tpu.memory_space<hbm>>
    %dma_wait3A_272 = tpu.memref_squeeze %dma_wait3A_271 : memref<1x50x32xf32, #tpu.memory_space<hbm>> -> memref<50x32xf32, #tpu.memory_space<hbm>>
    %dma_wait3A_273 = arith.constant 0 : i32
    %dma_wait3A_274 = arith.constant 0 : i32
    %dma_wait3A_275 = tpu.memref_slice %arg4[%add3A_265, %dma_wait3A_273, %dma_wait3A_274] : memref<16384x50x32xf32, #tpu.memory_space<hbm>> -> memref<1x50x32xf32, #tpu.memory_space<hbm>>
    %dma_wait3A_276 = tpu.memref_squeeze %dma_wait3A_275 : memref<1x50x32xf32, #tpu.memory_space<hbm>> -> memref<50x32xf32, #tpu.memory_space<hbm>>
    %dma_wait3A_277 = arith.constant 50 : i32
    %dma_wait3A_278 = arith.constant 0 : i32
    %dma_wait3A_279 = tpu.memref_slice %arg11[%dma_wait3A_277, %dma_wait3A_278] : memref<100x32xf32, #tpu.memory_space<vmem>> -> memref<50x32xf32, #tpu.memory_space<vmem>>
    tpu.wait_dma2 semaphore(%arg27 : memref<!tpu.dma_semaphore, #tpu.memory_space<semaphore_mem>>) src(%dma_wait3A_279 : memref<50x32xf32, #tpu.memory_space<vmem>>) dst(%dma_wait3A_276 : memref<50x32xf32, #tpu.memory_space<hbm>>)
    %add3A_280 = arith.constant 508 : i32
    %add3A_281 = arith.addi %mul3A_2, %add3A_280 : i32
    %add3A_282 = arith.constant 0 : i32
    %add3A_283 = arith.addi %add3A_281, %add3A_282 : i32
    %dma_wait3A_284 = arith.constant 0 : i32
    %dma_wait3A_285 = arith.constant 0 : i32
    %dma_wait3A_286 = tpu.memref_slice %arg12[%dma_wait3A_284, %dma_wait3A_285] : memref<100x32xf32, #tpu.memory_space<vmem>> -> memref<50x32xf32, #tpu.memory_space<vmem>>
    %dma_wait3A_287 = arith.constant 0 : i32
    %dma_wait3A_288 = arith.constant 0 : i32
    %dma_wait3A_289 = tpu.memref_slice %arg4[%add3A_283, %dma_wait3A_287, %dma_wait3A_288] : memref<16384x50x32xf32, #tpu.memory_space<hbm>> -> memref<1x50x32xf32, #tpu.memory_space<hbm>>
    %dma_wait3A_290 = tpu.memref_squeeze %dma_wait3A_289 : memref<1x50x32xf32, #tpu.memory_space<hbm>> -> memref<50x32xf32, #tpu.memory_space<hbm>>
    %dma_wait3A_291 = arith.constant 0 : i32
    %dma_wait3A_292 = arith.constant 0 : i32
    %dma_wait3A_293 = tpu.memref_slice %arg4[%add3A_283, %dma_wait3A_291, %dma_wait3A_292] : memref<16384x50x32xf32, #tpu.memory_space<hbm>> -> memref<1x50x32xf32, #tpu.memory_space<hbm>>
    %dma_wait3A_294 = tpu.memref_squeeze %dma_wait3A_293 : memref<1x50x32xf32, #tpu.memory_space<hbm>> -> memref<50x32xf32, #tpu.memory_space<hbm>>
    %dma_wait3A_295 = arith.constant 0 : i32
    %dma_wait3A_296 = arith.constant 0 : i32
    %dma_wait3A_297 = tpu.memref_slice %arg12[%dma_wait3A_295, %dma_wait3A_296] : memref<100x32xf32, #tpu.memory_space<vmem>> -> memref<50x32xf32, #tpu.memory_space<vmem>>
    tpu.wait_dma2 semaphore(%arg28 : memref<!tpu.dma_semaphore, #tpu.memory_space<semaphore_mem>>) src(%dma_wait3A_297 : memref<50x32xf32, #tpu.memory_space<vmem>>) dst(%dma_wait3A_294 : memref<50x32xf32, #tpu.memory_space<hbm>>)
    %add3A_298 = arith.constant 508 : i32
    %add3A_299 = arith.addi %mul3A_2, %add3A_298 : i32
    %add3A_300 = arith.constant 1 : i32
    %add3A_301 = arith.addi %add3A_299, %add3A_300 : i32
    %dma_wait3A_302 = arith.constant 50 : i32
    %dma_wait3A_303 = arith.constant 0 : i32
    %dma_wait3A_304 = tpu.memref_slice %arg12[%dma_wait3A_302, %dma_wait3A_303] : memref<100x32xf32, #tpu.memory_space<vmem>> -> memref<50x32xf32, #tpu.memory_space<vmem>>
    %dma_wait3A_305 = arith.constant 0 : i32
    %dma_wait3A_306 = arith.constant 0 : i32
    %dma_wait3A_307 = tpu.memref_slice %arg4[%add3A_301, %dma_wait3A_305, %dma_wait3A_306] : memref<16384x50x32xf32, #tpu.memory_space<hbm>> -> memref<1x50x32xf32, #tpu.memory_space<hbm>>
    %dma_wait3A_308 = tpu.memref_squeeze %dma_wait3A_307 : memref<1x50x32xf32, #tpu.memory_space<hbm>> -> memref<50x32xf32, #tpu.memory_space<hbm>>
    %dma_wait3A_309 = arith.constant 0 : i32
    %dma_wait3A_310 = arith.constant 0 : i32
    %dma_wait3A_311 = tpu.memref_slice %arg4[%add3A_301, %dma_wait3A_309, %dma_wait3A_310] : memref<16384x50x32xf32, #tpu.memory_space<hbm>> -> memref<1x50x32xf32, #tpu.memory_space<hbm>>
    %dma_wait3A_312 = tpu.memref_squeeze %dma_wait3A_311 : memref<1x50x32xf32, #tpu.memory_space<hbm>> -> memref<50x32xf32, #tpu.memory_space<hbm>>
    %dma_wait3A_313 = arith.constant 50 : i32
    %dma_wait3A_314 = arith.constant 0 : i32
    %dma_wait3A_315 = tpu.memref_slice %arg12[%dma_wait3A_313, %dma_wait3A_314] : memref<100x32xf32, #tpu.memory_space<vmem>> -> memref<50x32xf32, #tpu.memory_space<vmem>>
    tpu.wait_dma2 semaphore(%arg28 : memref<!tpu.dma_semaphore, #tpu.memory_space<semaphore_mem>>) src(%dma_wait3A_315 : memref<50x32xf32, #tpu.memory_space<vmem>>) dst(%dma_wait3A_312 : memref<50x32xf32, #tpu.memory_space<hbm>>)
    %add3A_316 = arith.constant 510 : i32
    %add3A_317 = arith.addi %mul3A_2, %add3A_316 : i32
    %add3A_318 = arith.constant 0 : i32
    %add3A_319 = arith.addi %add3A_317, %add3A_318 : i32
    %dma_wait3A_320 = arith.constant 0 : i32
    %dma_wait3A_321 = arith.constant 0 : i32
    %dma_wait3A_322 = tpu.memref_slice %arg13[%dma_wait3A_320, %dma_wait3A_321] : memref<100x32xf32, #tpu.memory_space<vmem>> -> memref<50x32xf32, #tpu.memory_space<vmem>>
    %dma_wait3A_323 = arith.constant 0 : i32
    %dma_wait3A_324 = arith.constant 0 : i32
    %dma_wait3A_325 = tpu.memref_slice %arg4[%add3A_319, %dma_wait3A_323, %dma_wait3A_324] : memref<16384x50x32xf32, #tpu.memory_space<hbm>> -> memref<1x50x32xf32, #tpu.memory_space<hbm>>
    %dma_wait3A_326 = tpu.memref_squeeze %dma_wait3A_325 : memref<1x50x32xf32, #tpu.memory_space<hbm>> -> memref<50x32xf32, #tpu.memory_space<hbm>>
    %dma_wait3A_327 = arith.constant 0 : i32
    %dma_wait3A_328 = arith.constant 0 : i32
    %dma_wait3A_329 = tpu.memref_slice %arg4[%add3A_319, %dma_wait3A_327, %dma_wait3A_328] : memref<16384x50x32xf32, #tpu.memory_space<hbm>> -> memref<1x50x32xf32, #tpu.memory_space<hbm>>
    %dma_wait3A_330 = tpu.memref_squeeze %dma_wait3A_329 : memref<1x50x32xf32, #tpu.memory_space<hbm>> -> memref<50x32xf32, #tpu.memory_space<hbm>>
    %dma_wait3A_331 = arith.constant 0 : i32
    %dma_wait3A_332 = arith.constant 0 : i32
    %dma_wait3A_333 = tpu.memref_slice %arg13[%dma_wait3A_331, %dma_wait3A_332] : memref<100x32xf32, #tpu.memory_space<vmem>> -> memref<50x32xf32, #tpu.memory_space<vmem>>
    tpu.wait_dma2 semaphore(%arg29 : memref<!tpu.dma_semaphore, #tpu.memory_space<semaphore_mem>>) src(%dma_wait3A_333 : memref<50x32xf32, #tpu.memory_space<vmem>>) dst(%dma_wait3A_330 : memref<50x32xf32, #tpu.memory_space<hbm>>)
    %add3A_334 = arith.constant 510 : i32
    %add3A_335 = arith.addi %mul3A_2, %add3A_334 : i32
    %add3A_336 = arith.constant 1 : i32
    %add3A_337 = arith.addi %add3A_335, %add3A_336 : i32
    %dma_wait3A_338 = arith.constant 50 : i32
    %dma_wait3A_339 = arith.constant 0 : i32
    %dma_wait3A_340 = tpu.memref_slice %arg13[%dma_wait3A_338, %dma_wait3A_339] : memref<100x32xf32, #tpu.memory_space<vmem>> -> memref<50x32xf32, #tpu.memory_space<vmem>>
    %dma_wait3A_341 = arith.constant 0 : i32
    %dma_wait3A_342 = arith.constant 0 : i32
    %dma_wait3A_343 = tpu.memref_slice %arg4[%add3A_337, %dma_wait3A_341, %dma_wait3A_342] : memref<16384x50x32xf32, #tpu.memory_space<hbm>> -> memref<1x50x32xf32, #tpu.memory_space<hbm>>
    %dma_wait3A_344 = tpu.memref_squeeze %dma_wait3A_343 : memref<1x50x32xf32, #tpu.memory_space<hbm>> -> memref<50x32xf32, #tpu.memory_space<hbm>>
    %dma_wait3A_345 = arith.constant 0 : i32
    %dma_wait3A_346 = arith.constant 0 : i32
    %dma_wait3A_347 = tpu.memref_slice %arg4[%add3A_337, %dma_wait3A_345, %dma_wait3A_346] : memref<16384x50x32xf32, #tpu.memory_space<hbm>> -> memref<1x50x32xf32, #tpu.memory_space<hbm>>
    %dma_wait3A_348 = tpu.memref_squeeze %dma_wait3A_347 : memref<1x50x32xf32, #tpu.memory_space<hbm>> -> memref<50x32xf32, #tpu.memory_space<hbm>>
    %dma_wait3A_349 = arith.constant 50 : i32
    %dma_wait3A_350 = arith.constant 0 : i32
    %dma_wait3A_351 = tpu.memref_slice %arg13[%dma_wait3A_349, %dma_wait3A_350] : memref<100x32xf32, #tpu.memory_space<vmem>> -> memref<50x32xf32, #tpu.memory_space<vmem>>
    tpu.wait_dma2 semaphore(%arg29 : memref<!tpu.dma_semaphore, #tpu.memory_space<semaphore_mem>>) src(%dma_wait3A_351 : memref<50x32xf32, #tpu.memory_space<vmem>>) dst(%dma_wait3A_348 : memref<50x32xf32, #tpu.memory_space<hbm>>)
    return
  }
}

</mosaic_0001>

<sc_bundles>
// kernel: kernel.3.cloned.1.call-start
scs
__scs_entry_jumppad:
0x0: {  	(pc) =	sbr.rel $0x88, $3  }
0x1: {  	(tag) =	ssettag $0x0;
	lr =	simm.s32 $0x1  }
0x2: {  	[smem:$0x3F9F] =	sst lr;
	_ =	strace $0xD0000000  }
0x3: {  	_ = 	snop  }
0x4: {  	_ = 	snop  }
0x5: {  	_ = 	snop  }
0x6: {  	_ = 	snop  }
0x7: {  	_ = 	snop  }
__scs_overlays_trampoline_lowered:
0x8: {  	[smem:$0x3FAE] =	sst s0  }
0x9: {  	[smem:$0x3FAF] =	sst s1  }
0xa: {  	[smem:$0x3FB0] =	sst s2  }
0xb: {  	[smem:$0x3FB1] =	sst s3  }
0xc: {  	[smem:$0x3FB2] =	sst s4  }
0xd: {  	[smem:$0x3FB3] =	sst s5  }
0xe: {  	[smem:$0x3FB4] =	sst s6  }
0xf: {  	[smem:$0x3FB5] =	sst s7  }
0x10: {  	[smem:$0x3FB6] =	sst s8  }
0x11: {  	[smem:$0x3FB7] =	sst s9;
	s0 =	simm.s32 @!p0 $0x0  }
0x12: {  	s1 =	sld [smem:$0x3F9D];
	s0 =	simm.s32 @p0 $0x1  }
0x13: {  	[smem:$0x3FB8] =	sst s0;
	s0 =	simm.s32 @!p1 $0x0  }
0x14: {  	s2 =	sld [smem:$0x3F9C];
	s0 =	simm.s32 @p1 $0x1  }
0x15: {  	[smem:$0x3FB9] =	sst s0;
	s0 =	simm.s32 @!p2 $0x0  }
0x16: {  	s3 =	sld [smem:$0x3FDB];
	s0 =	simm.s32 @p2 $0x1  }
0x17: {  	s4 =	simm.s32 $0x1BF5;
	[smem:$0x3FBB] =	sst s0  }
0x18: {  	s0 =	sld [smem:$0x3F9E];
	_ =	swait.ge [sflag:s4], $0x0  }
0x19: {  	s7 =	sld [smem:$0x3F9F]  }
0x1a: {  	s8 =	sadd.s32 $0xFFFFE003, lr  }
0x1b: {  	s9 =	sadd.s32 $0xFFFFFEF7, lr;
	s5 =	simm.s32 $0xFFFFFFFF;
	p2 =	slt.u32 s8, $0xFFFFF086  }
0x1c: {  	p1 =	slt.u32 s9, $0xF7A;
	s5 =	simm.s32 @!p2 $0x0  }
0x1d: {  	s5 =	simm.s32 @p1 $0x1;
	p0 =	seq.s32 s7, s2  }
0x1e: {  	s7 =	smul.u32 @!p0 $0xF7A, s2;
	p2 =	seq.s32 @!p0 s5, $0x0  }
0x1f: {  	s9 =	smul.u32 $0xF7A, s1;
	s8 =	simm.s32 @!p0 $0x1BF5;
	p2 =	por !p2, p0  }
0x20: {  	[sflag:s8] =	ssyncset.s32 @!p0 $0xFFFFF086;
	s6 =	sadd.s32 @!p0 s3, s7;
	s7 =	simm.s32 @!p0 $0x108  }
0x21: {  	s3 =	sadd.s32 s3, s9;
	s6 =	sadd.s32 @!p0 $0x88, s6;
	s7 =	simm.s32 @p2 $0x1082  }
0x22: {  	[simem:s7], [sflag:s8] =	dma.local @!p0 [hbm:s6], $0xF7A  }
0x23: {  	s9 =	sor.u32 $0xD0000000, s2;
	s6 =	simm.s32 $0x108;
	_ =	swait.ge @!p0 [sflag:s8], $0x0  }
0x24: {  	s3 =	sadd.s32 $0x88, s3;
	s6 =	simm.s32 @!p1 $0x1082;
	[sflag:s4] =	ssyncset.s32 $0xFFFFF086  }
0x25: {  	[simem:s6], [sflag:s4] =	dma.local [hbm:s3], $0xF7A  }
0x26: {  	[smem:$0x3F9F] =	sst s1;
	(tag) =	ssettag s2;
	_ =	strace s9  }
0x27: {  	s1 =	sld [smem:$0x3FAF]  }
0x28: {  	s2 =	sld [smem:$0x3FB0]  }
0x29: {  	s4 =	sld [smem:$0x3FB2]  }
0x2a: {  	p0 =	seq.s32 s5, $0x0;
	s5 =	sld [smem:$0x3FB3]  }
0x2b: {  	s6 =	sld [smem:$0x3FB4]  }
0x2c: {  	s7 =	sld [smem:$0x3FB5]  }
0x2d: {  	s3 =	simm.s32 $0x108;
	s8 =	sld [smem:$0x3FB6]  }
0x2e: {  	s3 =	simm.s32 @!p0 $0x1082;
	s9 =	sld [smem:$0x3FB7]  }
0x2f: {  	lr =	sadd.s32 s0, s3;
	s0 =	sld [smem:$0x3FAE]  }
0x30: {  	s3 =	sld [smem:$0x3FB1]  }
0x31: {  	[smem:$0x3FBA] =	sst s10  }
0x32: {  	s10 =	sld [smem:$0x3FB8];
	_ =	sdelay $0x3  }
0x33: {  	p0 =	seq.s32 s10, $0x1;
	s10 =	sld [smem:$0x3FBA];
	_ =	sdelay $0x3  }
0x34: {  	[smem:$0x3FBA] =	sst s10  }
0x35: {  	s10 =	sld [smem:$0x3FB9];
	_ =	sdelay $0x3  }
0x36: {  	p1 =	seq.s32 s10, $0x1;
	s10 =	sld [smem:$0x3FBA];
	_ =	sdelay $0x3  }
0x37: {  	[smem:$0x3FBA] =	sst s10  }
0x38: {  	s10 =	sld [smem:$0x3FBB]  }
0x39: {  	_ = 	snop;
	(pc) =	sbr.ind lr, $3  }
0x3a: {  	_ = 	snop  }
0x3b: {  	_ = 	snop  }
0x3c: {  	p2 =	seq.s32 s10, $0x1;
	s10 =	sld [smem:$0x3FBA]  }
0x3d: {  	_ =	shalt  }
0x3e: {  	_ =	shalt  }
0x3f: {  	_ =	shalt  }
0x40: {  	_ =	shalt  }
0x41: {  	_ =	shalt  }
0x42: {  	_ =	shalt  }
0x43: {  	_ =	shalt  }
0x44: {  	_ =	shalt  }
0x45: {  	_ =	shalt  }
0x46: {  	_ =	shalt  }
0x47: {  	_ =	shalt  }
0x48: {  	_ =	shalt  }
0x49: {  	_ =	shalt  }
0x4a: {  	_ =	shalt  }
0x4b: {  	_ =	shalt  }
0x4c: {  	_ =	shalt  }
0x4d: {  	_ =	shalt  }
0x4e: {  	_ =	shalt  }
0x4f: {  	_ =	shalt  }
0x50: {  	_ =	shalt  }
0x51: {  	_ =	shalt  }
0x52: {  	_ =	shalt  }
0x53: {  	_ =	shalt  }
0x54: {  	_ =	shalt  }
0x55: {  	_ =	shalt  }
0x56: {  	_ =	shalt  }
0x57: {  	_ =	shalt  }
0x58: {  	_ =	shalt  }
0x59: {  	_ =	shalt  }
0x5a: {  	_ =	shalt  }
0x5b: {  	_ =	shalt  }
0x5c: {  	_ =	shalt  }
0x5d: {  	_ =	shalt  }
0x5e: {  	_ =	shalt  }
0x5f: {  	_ =	shalt  }
0x60: {  	_ =	shalt  }
0x61: {  	_ =	shalt  }
0x62: {  	_ =	shalt  }
0x63: {  	_ =	shalt  }
0x64: {  	_ =	shalt  }
0x65: {  	_ =	shalt  }
0x66: {  	_ =	shalt  }
0x67: {  	_ =	shalt  }
0x68: {  	_ =	shalt  }
0x69: {  	_ =	shalt  }
0x6a: {  	_ =	shalt  }
0x6b: {  	_ =	shalt  }
0x6c: {  	_ =	shalt  }
0x6d: {  	_ =	shalt  }
0x6e: {  	_ =	shalt  }
0x6f: {  	_ =	shalt  }
0x70: {  	_ =	shalt  }
0x71: {  	_ =	shalt  }
0x72: {  	_ =	shalt  }
0x73: {  	_ =	shalt  }
0x74: {  	_ =	shalt  }
0x75: {  	_ =	shalt  }
0x76: {  	_ =	shalt  }
0x77: {  	_ =	shalt  }
0x78: {  	_ =	shalt  }
0x79: {  	_ =	shalt  }
0x7a: {  	_ =	shalt  }
0x7b: {  	_ =	shalt  }
0x7c: {  	_ =	shalt  }
0x7d: {  	_ =	shalt  }
0x7e: {  	_ =	shalt  }
0x7f: {  	_ =	shalt  }
0x80: {  	_ =	shalt  }
0x81: {  	_ =	shalt  }
0x82: {  	_ =	shalt  }
0x83: {  	_ =	shalt  }
0x84: {  	_ =	shalt  }
0x85: {  	_ =	shalt  }
0x86: {  	_ =	shalt  }
0x87: {  	_ =	shalt  }
.Lfunc_end0:
.L_simem_size_0:
called_computation.1_lowered:
.L_overlay_start_0:
0x88: {  	s2 =	sld [smem:$0x3FD9]  }
0x89: {  	s3 =	sld [smem:$0x3FFE];
	_ =	sdelay $0x1  }
0x8a: {  	s1 =	srdreg.scid  }
0x8b: {  	s0 =	sand.u32 $0x1, s1  }
0x8c: {  	s17 =	sshll.u32 s0, $0xA;
	s2 =	sadd.s32 s3, s2  }
0x8d: {  	s2 =	sadd.s32 s2, s17  }
0x8e: {  	[smem:$0x3FC6] =	sst s2  }
0x8f: {  	_ = 	snop  }
0x90: {  	s2 =	sld [smem:$0x3FD0];
	(tm) =	ssettm $0x1  }
0x91: {  	s18 =	sld [smem:$0x3FFB];
	_ =	sdelay $0x3  }
0x92: {  	_ =	strace s18  }
0x93: {  	s3 =	sld [smem:$0x3FFC];
	_ =	sdelay $0x3  }
0x94: {  	_ =	strace s3  }
0x95: {  	s3 =	sld [smem:$0x3FFD];
	_ =	sdelay $0x3  }
0x96: {  	_ =	strace s3  }
0x97: {  	_ =	strace $0x8FFFFFFF  }
0x98: {  	s19 =	sld [smem:$0x3FDB];
	_ =	sdelay $0x1  }
0x99: {  	s4 =	simm.s32 $_scs_section_size  }
0x9a: {  	s5 =	simm.s32 $_size__tile_overlayer_lowered;
	s6 =	simm.s32 $_tile_overlayer_lowered  }
0x9b: {  	s22 =	simm.s32 $0x1BFF;
	s21 =	sshll.u32 s6, $0x1;
	s3 =	sadd.s32 s4, s19  }
0x9c: {  	s7 =	simm.s32 $0x0;
	s20 =	sshll.u32 s5, $0x1;
	s5 =	sadd.s32 s21, s3  }
0x9d: {  	[timem:s7], [sflag:s22] =	dma.local [hbm:s5], s20  }
0x9e: {  	_ =	swait.ge [sflag:s22], s20  }
0x9f: {  	s4 =	ssub.s32 $0x0, s20;
	[sflag:s22] =	ssyncset.done $0x0  }
0xa0: {  	[sflag:s22] =	ssyncadd.s32 s4;
	_ =	sdelay $0x1  }
0xa1: {  	s23 =	simm.s32 $0x1B8B  }
0xa2: {  	_ =	swait.ge [sflag:s23], $0x1  }
0xa3: {  	[sflag:s23] =	ssyncset.done $0x0  }
0xa4: {  	s25 =	simm.s32 $0x1B8E;
	s24 =	sld [smem:$0x3FFE];
	[sflag:s23] =	ssyncadd.s32 $0xFFFFFFFF  }
0xa5: {  	s26 =	simm.s32 $execute0_lowered;
	[smem:$0x3FD2] =	sst s25  }
0xa6: {  	s5 =	sshll.u32 s26, $0x1;
	_ =	strace $0x80000046;
	[dreg:$0x1] =	wrdreg $0xFFFFFFFF  }
0xa7: {  	s28 =	simm.s32 $_size_execute0_lowered;
	s3 =	sadd.s32 s3, s5;
	[dreg:$0x0] =	wrdreg $0x0  }
0xa8: {  	s5 =	sshll.u32 s28, $0x1;
	[dreg:$0x2] =	wrdreg s3  }
0xa9: {  	[dreg:$0x3] =	wrdreg s5  }
0xaa: {  	[dreg:$0x4] =	wrdreg $0xC0  }
0xab: {  	_ =	task [dreg:s7], $0x5FFFF  }
0xac: {  	[dreg:$0x1] =	wrdreg $0xFFFFFFFF  }
0xad: {  	[dreg:$0x0] =	wrdreg $0x60  }
0xae: {  	[dreg:$0x2] =	wrdreg s24  }
0xaf: {  	[dreg:$0x3] =	wrdreg s2  }
0xb0: {  	[dreg:$0x4] =	wrdreg $0x9  }
0xb1: {  	_ =	task.clear_ibuf [dreg:s7], $0x5FFFF;
	_ =	strace $0x90000046  }
0xb2: {  	s29 =	simm.s32 $0x9;
	_ =	strace $0x80000048  }
0xb3: {  	_ =	swait.ge [sflag:s29], $0x1  }
0xb4: {  	[sflag:s29] =	ssyncadd.s32 $0xFFFFFFFF  }
0xb5: {  	_ =	strace $0x90000048  }
0xb6: {  	_ =	sfence  }
0xb7: {  	s30 =	sld [smem:$0x0];
	_ =	sdelay $0x2  }
0xb8: {  	s31 =	sshll.u32 s1, $0xD;
	s1 =	sshrl.u32 s1, $0x2  }
0xb9: {  	s3 =	sand.u32 $0x4000, s31;
	s1 =	sadd.s32 s1, s30  }
0xba: {  	s0 =	sor.u32 s3, s0;
	s1 =	sshll.u32 s1, $0x11  }
0xbb: {  	s0 =	sor.u32 s1, s0  }
0xbc: {  	s0 =	sadd.s32 $0x8F2B, s0  }
0xbd: {  	[sflag:s0] =	ssyncadd.remote.s32 $0x1  }
0xbe: {  	_ =	sfence.sel $0xFFFF  }
0xbf: {  	[dreg:$0x0] =	wrdreg $0xFFFFFFFF;
	(pc) =	sbr.abs _section_cstart, $3  }
0xc0: {  	[dreg:$0x1] =	wrdreg $0xFFFFFFFF  }
0xc1: {  	_ =	task.clear_ibuf [dreg:s7], $0x2FFFF;
	_ =	strace $0x9FFFFFFF  }
0xc2: {  	(tm) =	ssettm $0x7FFFFFFF  }
0xc3: {  	_ =	shalt  }
tec
execute0_lowered:
.L_overlay_start_1:
0x0: {  	(tag) =	ssettag $0x1  }
0x1: {  	s0 =	rddreg [dreg:$0x0];
	s1 =	srdreg.scid  }
0x2: {  	s10 =	stileid.u32;
	s4 =	rddreg [dreg:$0x1]  }
0x3: {  	s2 =	simm.s32 $0x0;
	s28 =	simm.s32 $0x8D80;
	s16 =	simm.s32 $0xA680  }
0x4: {  	s29 =	simm.s32 $0x4;
	s15 =	simm.s32 $0x6;
	s30 =	simm.s32 $0x7AC0  }
0x5: {  	s31 =	simm.s32 $0xB940;
	s1 =	sand.u32 $0x1, s1;
	s6 =	smul.u32 $0x190000, s10  }
0x6: {  	s3 =	sshll.u32 s10, $0x1;
	[smem:$0x7FF] =	sst s2;
	s20 =	smul.u32 $0x32000, s10  }
0x7: {  	s3 =	sor.u32 s1, s3;
	s5 =	ssub.s32 $0x2, s1;
	s9 =	smul.u32 $0xC8000, s1  }
0x8: {  	_ =	strace $0x80000047;
	s3 =	smul.u32 $0xD00, s3;
	s8 =	sshrl.u32 s5, $0x1  }
0x9: {  	s1 =	smul.u32 $0x19000, s1;
	s17 =	ssub.s32 s5, s8;
	s19 =	sadd.s32 s9, s6  }
0xa: {  	s5 =	sadd.s32 s20, s4;
	s20 =	simm.s32 $0x2;
	s7 =	sadd.s32 s3, s0  }
0xb: {  	s3 =	sadd.s32 $0xF42E00, s0;
	s0 =	smax.u32 s17, $0x1;
	s6 =	sor.u32 $0x5DC0, s19  }
0xc: {  	s21 =	sor.u32 $0x5140, s19;
	s23 =	sor.u32 $0x44C0, s19;
	s24 =	sor.u32 $0x3840, s19  }
0xd: {  	s9 =	sor.u32 $0x2BC0, s19;
	s25 =	sor.u32 $0x1F40, s19;
	s26 =	sor.u32 $0x12C0, s19  }
0xe: {  	s17 =	simm.s32 $0x7;
	s18 =	sadd.s32 $0xA00, s7;
	[dreg:$0x4] =	wrdreg s0  }
0xf: {  	s6 =	sshrl.u32 s6, $0x3;
	s22 =	sshrl.u32 s21, $0x3;
	s7 =	sadd.s32 s1, s5  }
0x10: {  	s1 =	sshrl.u32 s23, $0x3;
	s5 =	sshrl.u32 s24, $0x3;
	s11 =	sshrl.u32 s9, $0x3  }
0x11: {  	s0 =	sor.u32 $0x640, s19;
	s19 =	simm.s32 $0xB300;
	s23 =	simm.s32 $0xBF80  }
0x12: {  	s24 =	simm.s32 $0x3;
	s21 =	simm.s32 $0x8;
	[dreg:$0x3] =	wrdreg s18  }
0x13: {  	s6 =	sadd.s32 s6, s4;
	s8 =	sadd.s32 s22, s4;
	s9 =	sadd.s32 s1, s4  }
0x14: {  	s10 =	sadd.s32 s5, s4;
	s11 =	sadd.s32 s11, s4;
	s1 =	sshrl.u32 s25, $0x3  }
0x15: {  	s5 =	sshrl.u32 s26, $0x3;
	s0 =	sshrl.u32 s0, $0x3;
	s26 =	simm.s32 $0x6800  }
0x16: {  	s25 =	simm.s32 $0x7480;
	s22 =	simm.s32 $0x0;
	s12 =	sadd.s32 s1, s4  }
0x17: {  	s13 =	sadd.s32 s5, s4;
	s14 =	sadd.s32 s0, s4;
	s1 =	simm.s32 $0x8100  }
0x18: {  	s5 =	simm.s32 $0x9A00;
	s0 =	simm.s32 $0x1;
	s4 =	simm.s32 $0x5  }
.LBB2_1:
0x19: {  	[dreg:$0x5] =	wrdreg s22  }
0x1a: {  	s18 =	rddreg [dreg:$0x3];
	s22 =	simm.s32 $0x11  }
0x1b: {  	[tilespmem:s2], [sflag:$0x11] =	stream.linear.gather [hbm4b:s18+s2], $0x6800, $0x38;
	[tilespmem:$0xCC00] =	vst v63  }
0x1c: {  	_ =	swait.ge [sflag:s22], $0x6800  }
0x1d: {  	[sflag:s22] =	ssyncset.done $0x0  }
0x1e: {  	s18 =	simm.s32 $0x64;
	[sflag:s22] =	ssyncadd.s32 $0xFFFF9800  }
0x1f: {  	[tilespmem:s26], [sflag:$0x1] =	stream.indirect.gather [hbm4b:s3+s18], $0x20, s2, s18, $0xb8;
	[tilespmem:$0xCC00] =	vst v63  }
0x20: {  	s22 =	simm.s32 $0x68  }
0x21: {  	[tilespmem:s25], [sflag:$0x2] =	stream.indirect.gather [hbm4b:s3+s18], $0x20, s22, s18, $0xb8;
	[tilespmem:$0xCC00] =	vst v63  }
0x22: {  	s25 =	simm.s32 $0xD0  }
0x23: {  	[tilespmem:s1], [sflag:$0x3] =	stream.indirect.gather [hbm4b:s3+s18], $0x20, s25, s18, $0xb8;
	[tilespmem:$0xCC00] =	vst v63  }
0x24: {  	s25 =	simm.s32 $0x138  }
0x25: {  	[tilespmem:s28], [sflag:$0x4] =	stream.indirect.gather [hbm4b:s3+s18], $0x20, s25, s18, $0xb8;
	[tilespmem:$0xCC00] =	vst v63  }
0x26: {  	s28 =	simm.s32 $0x1A0  }
0x27: {  	[tilespmem:s5], [sflag:$0x5] =	stream.indirect.gather [hbm4b:s3+s18], $0x20, s28, s18, $0xb8;
	[tilespmem:$0xCC00] =	vst v63  }
0x28: {  	s22 =	simm.s32 $0x208  }
0x29: {  	[tilespmem:s16], [sflag:$0x6] =	stream.indirect.gather [hbm4b:s3+s18], $0x20, s22, s18, $0xb8;
	[tilespmem:$0xCC00] =	vst v63  }
0x2a: {  	s1 =	simm.s32 $0xA040;
	s25 =	simm.s32 $0x270;
	s28 =	simm.s32 $0x2D8  }
0x2b: {  	[tilespmem:s19], [sflag:$0x7] =	stream.indirect.gather [hbm4b:s3+s18], $0x20, s25, s18, $0xb8;
	[tilespmem:$0xCC00] =	vst v63  }
0x2c: {  	s5 =	simm.s32 $0xC5C0;
	s16 =	simm.s32 $0x8740;
	s25 =	simm.s32 $0x0  }
0x2d: {  	[tilespmem:s23], [sflag:$0x8] =	stream.indirect.gather [hbm4b:s3+s18], $0x20, s28, s18, $0xb8;
	[tilespmem:$0xCC00] =	vst v63  }
0x2e: {  	s19 =	simm.s32 $0x93C0;
	s18 =	simm.s32 $0x618;
	s23 =	simm.s32 $0xACC0  }
.LBB2_2:
0x2f: {  	_ =	swait.ge [sflag:s0], $0xC80  }
0x30: {  	[sflag:s0] =	ssyncset.done $0x0  }
0x31: {  	s22 =	sadd.s32 s25, s7;
	[sflag:s0] =	ssyncadd.s32 $0xFFFFF380  }
0x32: {  	[hbm4b:s22+s2] =	stream.linear.scatter [tilespmem:s26], [sflag:$0x9], $0x640, $0x38;
	[tilespmem:$0xCC00] =	vst v63  }
0x33: {  	s28 =	sadd.s32 s25, s14;
	s26 =	simm.s32 $0x6E40  }
0x34: {  	[hbm4b:s28+s2] =	stream.linear.scatter [tilespmem:s26], [sflag:$0x9], $0x640, $0x38;
	[tilespmem:$0xCC00] =	vst v63  }
0x35: {  	_ =	swait.ge [sflag:s20], $0xC80  }
0x36: {  	[sflag:s20] =	ssyncset.done $0x0  }
0x37: {  	s28 =	sadd.s32 $0x190, s22;
	s26 =	simm.s32 $0x7480;
	[sflag:s20] =	ssyncadd.s32 $0xFFFFF380  }
0x38: {  	[hbm4b:s28+s2] =	stream.linear.scatter [tilespmem:s26], [sflag:$0xA], $0x640, $0x38;
	[tilespmem:$0xCC00] =	vst v63  }
0x39: {  	s26 =	sadd.s32 s25, s13  }
0x3a: {  	[hbm4b:s26+s2] =	stream.linear.scatter [tilespmem:s30], [sflag:$0xA], $0x640, $0x38;
	[tilespmem:$0xCC00] =	vst v63  }
0x3b: {  	_ =	swait.ge [sflag:s24], $0xC80  }
0x3c: {  	[sflag:s24] =	ssyncset.done $0x0  }
0x3d: {  	s28 =	sadd.s32 $0x320, s22;
	s26 =	simm.s32 $0x8100;
	[sflag:s24] =	ssyncadd.s32 $0xFFFFF380  }
0x3e: {  	[hbm4b:s28+s2] =	stream.linear.scatter [tilespmem:s26], [sflag:$0xB], $0x640, $0x38;
	[tilespmem:$0xCC00] =	vst v63  }
0x3f: {  	s26 =	sadd.s32 s25, s12  }
0x40: {  	[hbm4b:s26+s2] =	stream.linear.scatter [tilespmem:s16], [sflag:$0xB], $0x640, $0x38;
	[tilespmem:$0xCC00] =	vst v63  }
0x41: {  	_ =	swait.ge [sflag:s29], $0xC80  }
0x42: {  	[sflag:s29] =	ssyncset.done $0x0  }
0x43: {  	s28 =	sadd.s32 $0x4B0, s22;
	s26 =	simm.s32 $0x8D80;
	[sflag:s29] =	ssyncadd.s32 $0xFFFFF380  }
0x44: {  	[hbm4b:s28+s2] =	stream.linear.scatter [tilespmem:s26], [sflag:$0xC], $0x640, $0x38;
	[tilespmem:$0xCC00] =	vst v63  }
0x45: {  	s26 =	sadd.s32 s25, s11  }
0x46: {  	[hbm4b:s26+s2] =	stream.linear.scatter [tilespmem:s19], [sflag:$0xC], $0x640, $0x38;
	[tilespmem:$0xCC00] =	vst v63  }
0x47: {  	_ =	swait.ge [sflag:s4], $0xC80  }
0x48: {  	[sflag:s4] =	ssyncset.done $0x0  }
0x49: {  	s28 =	sadd.s32 $0x640, s22;
	s26 =	simm.s32 $0x9A00;
	[sflag:s4] =	ssyncadd.s32 $0xFFFFF380  }
0x4a: {  	[hbm4b:s28+s2] =	stream.linear.scatter [tilespmem:s26], [sflag:$0xD], $0x640, $0x38;
	[tilespmem:$0xCC00] =	vst v63  }
0x4b: {  	s26 =	sadd.s32 s25, s10  }
0x4c: {  	[hbm4b:s26+s2] =	stream.linear.scatter [tilespmem:s1], [sflag:$0xD], $0x640, $0x38;
	[tilespmem:$0xCC00] =	vst v63  }
0x4d: {  	_ =	swait.ge [sflag:s15], $0xC80  }
0x4e: {  	[sflag:s15] =	ssyncset.done $0x0  }
0x4f: {  	s28 =	sadd.s32 $0x7D0, s22;
	s26 =	simm.s32 $0xA680;
	[sflag:s15] =	ssyncadd.s32 $0xFFFFF380  }
0x50: {  	[hbm4b:s28+s2] =	stream.linear.scatter [tilespmem:s26], [sflag:$0xE], $0x640, $0x38;
	[tilespmem:$0xCC00] =	vst v63  }
0x51: {  	s26 =	sadd.s32 s25, s9  }
0x52: {  	[hbm4b:s26+s2] =	stream.linear.scatter [tilespmem:s23], [sflag:$0xE], $0x640, $0x38;
	[tilespmem:$0xCC00] =	vst v63  }
0x53: {  	_ =	swait.ge [sflag:s17], $0xC80  }
0x54: {  	[sflag:s17] =	ssyncset.done $0x0  }
0x55: {  	s28 =	sadd.s32 $0x960, s22;
	s26 =	simm.s32 $0xB300;
	[sflag:s17] =	ssyncadd.s32 $0xFFFFF380  }
0x56: {  	[hbm4b:s28+s2] =	stream.linear.scatter [tilespmem:s26], [sflag:$0xF], $0x640, $0x38;
	[tilespmem:$0xCC00] =	vst v63  }
0x57: {  	s26 =	sadd.s32 s25, s8  }
0x58: {  	[hbm4b:s26+s2] =	stream.linear.scatter [tilespmem:s31], [sflag:$0xF], $0x640, $0x38;
	[tilespmem:$0xCC00] =	vst v63  }
0x59: {  	_ =	swait.ge [sflag:s21], $0xC80  }
0x5a: {  	p0 =	seq.s32 s25, $0x18380;
	[sflag:s21] =	ssyncset.done $0x0  }
0x5b: {  	s22 =	sadd.s32 $0xAF0, s22;
	s28 =	simm.s32 $0xBF80;
	[sflag:s21] =	ssyncadd.s32 $0xFFFFF380  }
0x5c: {  	[hbm4b:s22+s2] =	stream.linear.scatter [tilespmem:s28], [sflag:$0x10], $0x640, $0x38;
	[tilespmem:$0xCC00] =	vst v63  }
0x5d: {  	s28 =	sadd.s32 s25, s6;
	s22 =	simm.s32 @!p0 $0x9  }
0x5e: {  	[hbm4b:s28+s2] =	stream.linear.scatter [tilespmem:s5], [sflag:$0x10], $0x640, $0x38;
	[tilespmem:$0xCC00] =	vst v63  }
0x5f: {  	_ =	swait.ge @!p0 [sflag:s22], $0x640  }
0x60: {  	[sflag:s22] =	ssyncset.done @!p0 $0x0  }
0x61: {  	[sflag:s22] =	ssyncadd.s32 @!p0 $0xFFFFF9C0  }
0x62: {  	_ =	swait.ge @!p0 [sflag:s22], $0x640  }
0x63: {  	s26 =	simm.s32 @!p0 $0x6800;
	[sflag:s22] =	ssyncset.done @!p0 $0x0  }
0x64: {  	s28 =	sadd.s32 @!p0 $0xFFFFFD28, s18;
	[sflag:s22] =	ssyncadd.s32 @!p0 $0xFFFFF9C0;
	s22 =	simm.s32 @!p0 $0x64  }
0x65: {  	[tilespmem:s26], [sflag:$0x1] =	stream.indirect.gather @!p0 [hbm4b:s3+s22], $0x20, s28, s22, $0xb8;
	[tilespmem:$0xCC00] =	vst v63  }
0x66: {  	s26 =	simm.s32 @!p0 $0xA  }
0x67: {  	_ =	swait.ge @!p0 [sflag:s26], $0x640  }
0x68: {  	[sflag:s26] =	ssyncset.done @!p0 $0x0  }
0x69: {  	[sflag:s26] =	ssyncadd.s32 @!p0 $0xFFFFF9C0  }
0x6a: {  	_ =	swait.ge @!p0 [sflag:s26], $0x640  }
0x6b: {  	[sflag:s26] =	ssyncset.done @!p0 $0x0  }
0x6c: {  	s28 =	simm.s32 @!p0 $0x7480;
	[sflag:s26] =	ssyncadd.s32 @!p0 $0xFFFFF9C0;
	s26 =	sadd.s32 @!p0 $0xFFFFFD90, s18  }
0x6d: {  	[tilespmem:s28], [sflag:$0x2] =	stream.indirect.gather @!p0 [hbm4b:s3+s22], $0x20, s26, s22, $0xb8;
	[tilespmem:$0xCC00] =	vst v63  }
0x6e: {  	s26 =	simm.s32 @!p0 $0xB  }
0x6f: {  	_ =	swait.ge @!p0 [sflag:s26], $0x640  }
0x70: {  	[sflag:s26] =	ssyncset.done @!p0 $0x0  }
0x71: {  	[sflag:s26] =	ssyncadd.s32 @!p0 $0xFFFFF9C0  }
0x72: {  	_ =	swait.ge @!p0 [sflag:s26], $0x640  }
0x73: {  	[sflag:s26] =	ssyncset.done @!p0 $0x0  }
0x74: {  	s28 =	simm.s32 @!p0 $0x8100;
	[sflag:s26] =	ssyncadd.s32 @!p0 $0xFFFFF9C0;
	s26 =	sadd.s32 @!p0 $0xFFFFFDF8, s18  }
0x75: {  	[tilespmem:s28], [sflag:$0x3] =	stream.indirect.gather @!p0 [hbm4b:s3+s22], $0x20, s26, s22, $0xb8;
	[tilespmem:$0xCC00] =	vst v63  }
0x76: {  	s26 =	simm.s32 @!p0 $0xC  }
0x77: {  	_ =	swait.ge @!p0 [sflag:s26], $0x640  }
0x78: {  	[sflag:s26] =	ssyncset.done @!p0 $0x0  }
0x79: {  	[sflag:s26] =	ssyncadd.s32 @!p0 $0xFFFFF9C0  }
0x7a: {  	_ =	swait.ge @!p0 [sflag:s26], $0x640  }
0x7b: {  	[sflag:s26] =	ssyncset.done @!p0 $0x0  }
0x7c: {  	s28 =	simm.s32 @!p0 $0x8D80;
	[sflag:s26] =	ssyncadd.s32 @!p0 $0xFFFFF9C0;
	s26 =	sadd.s32 @!p0 $0xFFFFFE60, s18  }
0x7d: {  	[tilespmem:s28], [sflag:$0x4] =	stream.indirect.gather @!p0 [hbm4b:s3+s22], $0x20, s26, s22, $0xb8;
	[tilespmem:$0xCC00] =	vst v63  }
0x7e: {  	s26 =	simm.s32 @!p0 $0xD  }
0x7f: {  	_ =	swait.ge @!p0 [sflag:s26], $0x640  }
0x80: {  	[sflag:s26] =	ssyncset.done @!p0 $0x0  }
0x81: {  	[sflag:s26] =	ssyncadd.s32 @!p0 $0xFFFFF9C0  }
0x82: {  	_ =	swait.ge @!p0 [sflag:s26], $0x640  }
0x83: {  	[sflag:s26] =	ssyncset.done @!p0 $0x0  }
0x84: {  	s28 =	simm.s32 @!p0 $0x9A00;
	[sflag:s26] =	ssyncadd.s32 @!p0 $0xFFFFF9C0;
	s26 =	sadd.s32 @!p0 $0xFFFFFEC8, s18  }
0x85: {  	[tilespmem:s28], [sflag:$0x5] =	stream.indirect.gather @!p0 [hbm4b:s3+s22], $0x20, s26, s22, $0xb8;
	[tilespmem:$0xCC00] =	vst v63  }
0x86: {  	s26 =	simm.s32 @!p0 $0xE  }
0x87: {  	_ =	swait.ge @!p0 [sflag:s26], $0x640  }
0x88: {  	[sflag:s26] =	ssyncset.done @!p0 $0x0  }
0x89: {  	[sflag:s26] =	ssyncadd.s32 @!p0 $0xFFFFF9C0  }
0x8a: {  	_ =	swait.ge @!p0 [sflag:s26], $0x640  }
0x8b: {  	[sflag:s26] =	ssyncset.done @!p0 $0x0  }
0x8c: {  	s28 =	simm.s32 @!p0 $0xA680;
	[sflag:s26] =	ssyncadd.s32 @!p0 $0xFFFFF9C0;
	s26 =	sadd.s32 @!p0 $0xFFFFFF30, s18  }
0x8d: {  	[tilespmem:s28], [sflag:$0x6] =	stream.indirect.gather @!p0 [hbm4b:s3+s22], $0x20, s26, s22, $0xb8;
	[tilespmem:$0xCC00] =	vst v63  }
0x8e: {  	s26 =	simm.s32 @!p0 $0xF  }
0x8f: {  	_ =	swait.ge @!p0 [sflag:s26], $0x640  }
0x90: {  	[sflag:s26] =	ssyncset.done @!p0 $0x0  }
0x91: {  	[sflag:s26] =	ssyncadd.s32 @!p0 $0xFFFFF9C0  }
0x92: {  	_ =	swait.ge @!p0 [sflag:s26], $0x640  }
0x93: {  	[sflag:s26] =	ssyncset.done @!p0 $0x0  }
0x94: {  	s28 =	simm.s32 @!p0 $0xB300;
	[sflag:s26] =	ssyncadd.s32 @!p0 $0xFFFFF9C0;
	s26 =	sadd.s32 @!p0 $0xFFFFFF98, s18  }
0x95: {  	[tilespmem:s28], [sflag:$0x7] =	stream.indirect.gather @!p0 [hbm4b:s3+s22], $0x20, s26, s22, $0xb8;
	[tilespmem:$0xCC00] =	vst v63  }
0x96: {  	s26 =	simm.s32 @!p0 $0x10  }
0x97: {  	s25 =	sadd.s32 @!p0 $0xC80, s25;
	_ =	swait.ge @!p0 [sflag:s26], $0x640  }
0x98: {  	p1 =	sne.s32 @!p0 s25, $0x19000;
	[sflag:s26] =	ssyncset.done @!p0 $0x0  }
0x99: {  	p1 =	por p0, !p1;
	[sflag:s26] =	ssyncadd.s32 @!p0 $0xFFFFF9C0  }
.Ltmp0:
0x9a: {  	_ =	swait.ge @!p0 [sflag:s26], $0x640;
	(pc) =	sbr.rel @!p1 .LBB2_2-.Ltmp0, $4  }
0x9b: {  	[sflag:s26] =	ssyncset.done @!p0 $0x0  }
0x9c: {  	[sflag:s26] =	ssyncadd.s32 @!p0 $0xFFFFF9C0;
	s26 =	simm.s32 @!p0 $0xBF80  }
0x9d: {  	[tilespmem:s26], [sflag:$0x8] =	stream.indirect.gather @!p0 [hbm4b:s3+s22], $0x20, s18, s22, $0xb8;
	[tilespmem:$0xCC00] =	vst v63  }
0x9e: {  	s26 =	simm.s32 $0x6800;
	s18 =	sadd.s32 @!p0 $0x340, s18  }
0x9f: {  	s1 =	simm.s32 $0x9  }
0xa0: {  	_ =	swait.ge [sflag:s1], $0x640  }
0xa1: {  	[sflag:s1] =	ssyncset.done $0x0  }
0xa2: {  	[sflag:s1] =	ssyncadd.s32 $0xFFFFF9C0  }
0xa3: {  	_ =	swait.ge [sflag:s1], $0x640  }
0xa4: {  	[sflag:s1] =	ssyncset.done $0x0  }
0xa5: {  	s5 =	simm.s32 $0xA;
	[sflag:s1] =	ssyncadd.s32 $0xFFFFF9C0  }
0xa6: {  	_ =	swait.ge [sflag:s5], $0x640  }
0xa7: {  	[sflag:s5] =	ssyncset.done $0x0  }
0xa8: {  	[sflag:s5] =	ssyncadd.s32 $0xFFFFF9C0  }
0xa9: {  	_ =	swait.ge [sflag:s5], $0x640  }
0xaa: {  	[sflag:s5] =	ssyncset.done $0x0  }
0xab: {  	s16 =	simm.s32 $0xB;
	[sflag:s5] =	ssyncadd.s32 $0xFFFFF9C0  }
0xac: {  	_ =	swait.ge [sflag:s16], $0x640  }
0xad: {  	[sflag:s16] =	ssyncset.done $0x0  }
0xae: {  	[sflag:s16] =	ssyncadd.s32 $0xFFFFF9C0  }
0xaf: {  	_ =	swait.ge [sflag:s16], $0x640  }
0xb0: {  	[sflag:s16] =	ssyncset.done $0x0  }
0xb1: {  	s18 =	simm.s32 $0xC;
	[sflag:s16] =	ssyncadd.s32 $0xFFFFF9C0  }
0xb2: {  	_ =	swait.ge [sflag:s18], $0x640  }
0xb3: {  	[sflag:s18] =	ssyncset.done $0x0  }
0xb4: {  	[sflag:s18] =	ssyncadd.s32 $0xFFFFF9C0  }
0xb5: {  	_ =	swait.ge [sflag:s18], $0x640  }
0xb6: {  	[sflag:s18] =	ssyncset.done $0x0  }
0xb7: {  	s19 =	simm.s32 $0xD;
	[sflag:s18] =	ssyncadd.s32 $0xFFFFF9C0  }
0xb8: {  	_ =	swait.ge [sflag:s19], $0x640  }
0xb9: {  	[sflag:s19] =	ssyncset.done $0x0  }
0xba: {  	[sflag:s19] =	ssyncadd.s32 $0xFFFFF9C0  }
0xbb: {  	_ =	swait.ge [sflag:s19], $0x640  }
0xbc: {  	[sflag:s19] =	ssyncset.done $0x0  }
0xbd: {  	s22 =	simm.s32 $0xE;
	[sflag:s19] =	ssyncadd.s32 $0xFFFFF9C0  }
0xbe: {  	_ =	swait.ge [sflag:s22], $0x640  }
0xbf: {  	[sflag:s22] =	ssyncset.done $0x0  }
0xc0: {  	[sflag:s22] =	ssyncadd.s32 $0xFFFFF9C0  }
0xc1: {  	_ =	swait.ge [sflag:s22], $0x640  }
0xc2: {  	[sflag:s22] =	ssyncset.done $0x0  }
0xc3: {  	s23 =	simm.s32 $0xF;
	[sflag:s22] =	ssyncadd.s32 $0xFFFFF9C0  }
0xc4: {  	_ =	swait.ge [sflag:s23], $0x640  }
0xc5: {  	[sflag:s23] =	ssyncset.done $0x0  }
0xc6: {  	[sflag:s23] =	ssyncadd.s32 $0xFFFFF9C0  }
0xc7: {  	_ =	swait.ge [sflag:s23], $0x640  }
0xc8: {  	[sflag:s23] =	ssyncset.done $0x0  }
0xc9: {  	s25 =	simm.s32 $0x10;
	[sflag:s23] =	ssyncadd.s32 $0xFFFFF9C0  }
0xca: {  	_ =	swait.ge [sflag:s25], $0x640  }
0xcb: {  	[sflag:s25] =	ssyncset.done $0x0  }
0xcc: {  	[sflag:s25] =	ssyncadd.s32 $0xFFFFF9C0  }
0xcd: {  	_ =	swait.ge [sflag:s25], $0x640  }
0xce: {  	s22 =	rddreg [dreg:$0x5]  }
0xcf: {  	s18 =	rddreg [dreg:$0x4];
	s22 =	sadd.s32 $0x1, s22  }
0xd0: {  	p0 =	sne.s32 s22, s18  }
.Ltmp1:
0xd1: {  	_ = 	snop;
	(pc) =	sbr.rel @p0 .LBB2_1-.Ltmp1, $4  }
0xd2: {  	_ = 	snop  }
0xd3: {  	s28 =	simm.s32 $0x8D80;
	s1 =	simm.s32 $0x8100;
	s5 =	simm.s32 $0x9A00  }
0xd4: {  	s16 =	simm.s32 $0xA680;
	s19 =	simm.s32 $0xB300;
	[sflag:s25] =	ssyncset.done $0x0  }
0xd5: {  	s23 =	simm.s32 $0xBF80;
	[sflag:s25] =	ssyncadd.s32 $0xFFFFF9C0;
	s25 =	simm.s32 $0x7480  }
0xd6: {  	_ =	sfence.sel $0x180000  }
0xd7: {  	[bflag:$0x0] =	sbarrier.arrive $0xFFFF  }
0xd8: {  	_ =	strace $0x90000047  }
0xd9: {  	s0 =	stileid.u32;
	[bflag:$0x2] =	sbarrier.arrive $0xFFFF  }
0xda: {  	p0 =	sne.s32 s0, $0x0;
	s0 =	rddreg [dreg:$0x2]  }
0xdb: {  	s0 =	sadd.s32 @!p0 $0x100000, s0  }
0xdc: {  	[sflag:s0] =	ssyncadd.tile.s32 @!p0 $0x1;
	_ =	shalt  }
.Lfunc_end2:
_tile_overlayer_lowered:
.L_overlay_start_2:
0xdd: {  	(tag) =	ssettag $0x2  }
0xde: {  	s0 =	rddreg [dreg:$0x0];
	s2 =	stileid.u32  }
0xdf: {  	s1 =	rddreg [dreg:$0x1];
	p0 =	sne.s32 s2, $0x0  }
0xe0: {  	s3 =	rddreg [dreg:$0x2];
	[bflag:$0x3] =	sbarrier.arrive $0xFFFF;
	s2 =	simm.s32 @!p0 $0x1C11  }
0xe1: {  	[timem:s3], [sflag:s2] =	dma.local @!p0 [hbm:s0], s1  }
0xe2: {  	s0 =	simm.s32 @!p0 $0x11  }
0xe3: {  	_ =	swait.ge @!p0 [sflag:s0], s1  }
0xe4: {  	s1 =	ssub.s32 @!p0 $0x0, s1;
	[sflag:s0] =	ssyncset.done @!p0 $0x0  }
0xe5: {  	[sflag:s0] =	ssyncadd.s32 @!p0 s1  }
0xe6: {  	[bflag:$0x3] =	sbarrier.arrive $0xFFFF  }
0xe7: {  	_ =	shalt  }

// kernel: sparse-core-data-format-call.cloned.1.call-start
scs
called_computation_lowered:
.L_overlay_start_0:
0x0: {  	s2 =	sld [smem:$0x3FD9]  }
0x1: {  	s3 =	sld [smem:$0x3FFE];
	_ =	sdelay $0x1  }
0x2: {  	s1 =	srdreg.scid  }
0x3: {  	s0 =	sand.u32 $0x1, s1  }
0x4: {  	s18 =	sshll.u32 s0, $0xA;
	s2 =	sadd.s32 s3, s2  }
0x5: {  	s2 =	sadd.s32 s2, s18  }
0x6: {  	[smem:$0x3FC6] =	sst s2  }
0x7: {  	_ = 	snop  }
0x8: {  	s2 =	sld [smem:$0x3FD0];
	(tm) =	ssettm $0x1  }
0x9: {  	s19 =	sld [smem:$0x3FFB];
	_ =	sdelay $0x3  }
0xa: {  	_ =	strace s19  }
0xb: {  	s3 =	sld [smem:$0x3FFC];
	_ =	sdelay $0x3  }
0xc: {  	_ =	strace s3  }
0xd: {  	s3 =	sld [smem:$0x3FFD];
	_ =	sdelay $0x3  }
0xe: {  	_ =	strace s3  }
0xf: {  	_ =	strace $0x8FFFFFFF  }
0x10: {  	s20 =	sld [smem:$0x3FDB];
	_ =	sdelay $0x1  }
0x11: {  	s4 =	simm.s32 $_scs_section_size  }
0x12: {  	s5 =	simm.s32 $_size__tile_overlayer_lowered;
	s6 =	simm.s32 $_tile_overlayer_lowered  }
0x13: {  	s23 =	simm.s32 $0x1BFF;
	s22 =	sshll.u32 s6, $0x1;
	s3 =	sadd.s32 s4, s20  }
0x14: {  	s7 =	simm.s32 $0x0;
	s21 =	sshll.u32 s5, $0x1;
	s5 =	sadd.s32 s22, s3  }
0x15: {  	[timem:s7], [sflag:s23] =	dma.local [hbm:s5], s21  }
0x16: {  	_ =	swait.ge [sflag:s23], s21  }
0x17: {  	s4 =	ssub.s32 $0x0, s21;
	[sflag:s23] =	ssyncset.done $0x0  }
0x18: {  	[sflag:s23] =	ssyncadd.s32 s4;
	_ =	sdelay $0x1  }
0x19: {  	s24 =	simm.s32 $0x1B8B  }
0x1a: {  	_ =	swait.ge [sflag:s24], $0x1  }
0x1b: {  	[sflag:s24] =	ssyncset.done $0x0  }
0x1c: {  	s26 =	simm.s32 $0x1B8E;
	s25 =	sld [smem:$0x3FFE];
	[sflag:s24] =	ssyncadd.s32 $0xFFFFFFFF  }
0x1d: {  	s27 =	simm.s32 $execute0_lowered;
	[smem:$0x3FD2] =	sst s26  }
0x1e: {  	s5 =	sshll.u32 s27, $0x1;
	_ =	strace $0x80000049;
	[dreg:$0x1] =	wrdreg $0xFFFFFFFF  }
0x1f: {  	s28 =	simm.s32 $_size_execute0_lowered;
	s3 =	sadd.s32 s3, s5;
	[dreg:$0x0] =	wrdreg $0x0  }
0x20: {  	s5 =	sshll.u32 s28, $0x1;
	[dreg:$0x2] =	wrdreg s3  }
0x21: {  	[dreg:$0x3] =	wrdreg s5  }
0x22: {  	[dreg:$0x4] =	wrdreg $0xC0  }
0x23: {  	_ =	task [dreg:s7], $0x5FFFF  }
0x24: {  	[dreg:$0x1] =	wrdreg $0xFFFFFFFF  }
0x25: {  	[dreg:$0x0] =	wrdreg $0x60  }
0x26: {  	[dreg:$0x2] =	wrdreg s25  }
0x27: {  	[dreg:$0x3] =	wrdreg s2  }
0x28: {  	[dreg:$0x4] =	wrdreg $0x9  }
0x29: {  	_ =	task.clear_ibuf [dreg:s7], $0x5FFFF;
	_ =	strace $0x90000049  }
0x2a: {  	s29 =	simm.s32 $0x9;
	_ =	strace $0x8000004B  }
0x2b: {  	_ =	swait.ge [sflag:s29], $0x1  }
0x2c: {  	[sflag:s29] =	ssyncadd.s32 $0xFFFFFFFF  }
0x2d: {  	_ =	strace $0x9000004B  }
0x2e: {  	_ =	sfence  }
0x2f: {  	s30 =	sld [smem:$0x0];
	_ =	sdelay $0x2  }
0x30: {  	s31 =	sshll.u32 s1, $0xD;
	s1 =	sshrl.u32 s1, $0x2  }
0x31: {  	s3 =	sand.u32 $0x4000, s31;
	s1 =	sadd.s32 s1, s30  }
0x32: {  	s0 =	sor.u32 s3, s0;
	s1 =	sshll.u32 s1, $0x11  }
0x33: {  	s0 =	sor.u32 s1, s0  }
0x34: {  	s0 =	sadd.s32 $0x8F2B, s0  }
0x35: {  	[sflag:s0] =	ssyncadd.remote.s32 $0x1  }
0x36: {  	_ =	sfence.sel $0xFFFF  }
0x37: {  	[dreg:$0x0] =	wrdreg $0xFFFFFFFF;
	(pc) =	sbr.abs _section_cstart, $3  }
0x38: {  	[dreg:$0x1] =	wrdreg $0xFFFFFFFF  }
0x39: {  	_ =	task.clear_ibuf [dreg:s7], $0x2FFFF;
	_ =	strace $0x9FFFFFFF  }
0x3a: {  	(tm) =	ssettm $0x7FFFFFFF  }
0x3b: {  	_ =	shalt  }
tec
execute0_lowered:
.L_overlay_start_1:
0x0: {  	(tag) =	ssettag $0x1  }
0x1: {  	s0 =	srdreg.scid  }
0x2: {  	s1 =	sshll.u32 s0, $0x4  }
0x3: {  	s0 =	stileid.u32;
	s1 =	sand.u32 $0x10, s1  }
0x4: {  	s1 =	sor.u32 s0, s1  }
0x5: {  	s6 =	rddreg [dreg:$0x0];
	s4 =	simm.s32 $0x1;
	s2 =	sshll.u32 s1, $0x7  }
0x6: {  	s7 =	simm.s32 $0x2;
	s12 =	simm.s32 $0x0;
	s1 =	ssub.s32 $0x4000, s2  }
0x7: {  	s8 =	simm.s32 $0x20000;
	s13 =	simm.s32 $0x0;
	s3 =	sand.u32 $0xF80, s1  }
0x8: {  	s9 =	simm.s32 $0x0;
	s5 =	sshrl.u32 s1, $0xC;
	p0 =	sne.s32 s3, $0x0  }
.Ltmp0:
0x9: {  	s1 =	rddreg [dreg:$0x2];
	s4 =	simm.s32 @!p0 $0x0;
	(pc) =	sbr.rel .LBB1_1-.Ltmp0, $4  }
0xa: {  	s11 =	simm.s32 $0x0;
	s3 =	rddreg [dreg:$0x1];
	s5 =	sadd.s32 s4, s5  }
0xb: {  	_ =	strace $0x8000004A;
	s4 =	simm.s32 $0x1;
	s5 =	smul.u32 $0x32, s5  }
0xc: {  	s6 =	sadd.s32 $0xA00, s6;
	s10 =	smov.u32 s2;
	[sflag:s4] =	ssyncpa.u1 $0x0  }
0xd: {  	p0 =	por $0x0, $0x0;
	[sflag:s7] =	ssyncpa.u1 $0x0;
	s7 =	sor.u32 $0x1, s5  }
.LBB1_4:
0xe: {  	s16 =	sshll.u32 s13, $0x3;
	s17 =	sand.u32 $0x78, s13  }
0xf: {  	s30 =	sand.u32 $0xF800, s13;
	s12 =	sshll.u32 s12, $0x10;
	s16 =	sand.u32 $0x3C00, s16  }
0x10: {  	s31 =	sand.u32 $0x7, s13;
	s16 =	sor.u32 s17, s16;
	s17 =	sadd.s32 s3, s30  }
0x11: {  	s13 =	sshll.u32 s31, $0x12;
	s16 =	sshrl.u32 s16, $0x3;
	s12 =	sadd.s32 s12, s17  }
0x12: {  	[tilespmem:s15+$0x0 ss:$0x81] =	vst.msk $0xffff, v0;
	s13 =	sor.u32 $0x400, s13;
	s12 =	sadd.s32 s16, s12  }
0x13: {  	[hbm4b:s12+s13] =	stream.strided.scatter [tilespmem:s14], [sflag:$0x2], $0x1000, s8, s13, $0x20;
	[tilespmem:$0x4040] =	vst v63  }
.LBB1_5:
0x14: {  	s14 =	sadd.s32 $0x1, s9  }
0x15: {  	s12 =	sadd.s32 $0x1000, s10;
	s16 =	smov.u32 s10;
	p2 =	sgt.s32 s14, $0x31  }
0x16: {  	s16 =	smov.u32 @p2 s12  }
0x17: {  	s14 =	simm.s32 @p2 $0x0;
	p2 =	sgt.s32 s16, $0x3FFF  }
0x18: {  	s16 =	smov.u32 @p2 s2;
	p2 =	sne.s32 s11, s7  }
.Ltmp1:
0x19: {  	p1 =	slt.u32 s11, $0x2;
	(pc) =	sbr.rel @!p2 .LBB1_6-.Ltmp1, $4  }
0x1a: {  	s15 =	simm.s32 @!p1 $0x2  }
0x1b: {  	s13 =	smov.u32 s10;
	p0 =	por !p0, !p0;
	_ =	swait.ge @!p1 [sflag:s15], $0x1000  }
0x1c: {  	s12 =	smov.u32 s9;
	[sflag:s15] =	ssyncset.done @!p1 $0x0;
	s9 =	smov.u32 s14  }
0x1d: {  	s11 =	sadd.s32 $0x1, s11;
	[sflag:s15] =	ssyncadd.s32 @!p1 $0xFFFFF000;
	s10 =	smov.u32 s16  }
.LBB1_1:
0x1e: {  	p1 =	sge.u32 s11, s5  }
0x1f: {  	s14 =	sand.u32 @!p1 $0x1FFFFFF, s9  }
0x20: {  	s15 =	smulhi.u32 @!p1 $0x4924925, s14;
	_ =	sdelay $0x1  }
0x21: {  	s15 =	smul.u32 @!p1 $0x38, s15  }
0x22: {  	s16 =	sxor.u32 @!p1 $0xFFFFFFFF, s11;
	s17 =	smul.u32 @!p1 $0x380, s10  }
0x23: {  	s31 =	sadd.s32 $0xFFFFFFFF, s11;
	s16 =	sshll.u32 @!p1 s16, $0xC;
	s14 =	ssub.s32 @!p1 s14, s15  }
0x24: {  	s15 =	sand.u32 @!p1 $0x1000, s16;
	s16 =	sadd.s32 @!p1 s6, s17;
	s14 =	sshll.u32 @!p1 s14, $0x4  }
0x25: {  	s17 =	simm.s32 @!p1 $0x1C00;
	s14 =	sadd.s32 @!p1 s14, s16;
	s16 =	simm.s32 @!p1 $0x20  }
0x26: {  	[tilespmem:s15], [sflag:$0x1] =	stream.strided.gather @!p1 [hbm4b:s14+s16], $0x1000, s17, s16, $0x38;
	[tilespmem:$0x4040] =	vst v63  }
0x27: {  	p1 =	sge.u32 s31, s5  }
.Ltmp2:
0x28: {  	_ = 	snop;
	(pc) =	sbr.rel @p1 .LBB1_5-.Ltmp2, $1  }
0x29: {  	_ =	sdelay $0x3  }
0x2a: {  	s14 =	simm.s32 $0x1  }
0x2b: {  	_ =	swait.ge [sflag:s4], $0x1000;
	s14 =	simm.s32 @!p0 $0x0  }
0x2c: {  	[sflag:s4] =	ssyncset.done $0x0;
	s15 =	sshll.u32 s14, $0xC  }
0x2d: {  	[sflag:s4] =	ssyncadd.s32 $0xFFFFF000;
	s18 =	sor.u32 $0x10, s15  }
0x2e: {  	s14 =	smul.u32 $0x4080, s14;
	v1 =	vld [tilespmem:s18+$0x0]  }
0x2f: {  	s30 =	sand.u32 $0x1, s11;
	v0 =	vld [tilespmem:s18+$0xFFFFFFF0]  }
0x30: {  	s15 =	smul.u32 $0x4080, s30;
	s14 =	sshrl.u32 s14, $0x2  }
0x31: {  	s16 =	sor.u32 $0x2000, s14  }
0x32: {  	s31 =	sshrl.u32 s15, $0x2;
	s15 =	sadd.s32 $0x0, s16  }
0x33: {  	s17 =	simm.s32 $0x4;
	s18 =	sadd.s32 $0x20, s18;
	s14 =	sor.u32 $0x2000, s31;
	[tilespmem:s15+$0x810 ss:$0x81] =	vst.msk $0xffff, v1  }
.LBB1_3:
0x34: {  	v1 =	vld [tilespmem:s18+$0x0];
	p1 =	sne.s32 s17, $0x1FC;
	[tilespmem:s15+$0x0 ss:$0x81] =	vst.msk $0xffff, v0;
	s15 =	smov.u32 s17;
	s17 =	sadd.s32 $0x4, s17  }
.Ltmp3:
0x35: {  	v0 =	vld [tilespmem:s18+$0xFFFFFFF0];
	(pc) =	sbr.rel @p1 .LBB1_3-.Ltmp3, $4  }
0x36: {  	_ = 	snop  }
0x37: {  	s15 =	sshra.s32 s15, $0x2  }
0x38: {  	s15 =	sadd.s32 s15, s16  }
0x39: {  	s18 =	sadd.s32 $0x20, s18;
	[tilespmem:s15+$0x810 ss:$0x81] =	vst.msk $0xffff, v1  }
.Ltmp4:
0x3a: {  	_ = 	snop;
	(pc) =	sbr.rel .LBB1_4-.Ltmp4, $1  }
0x3b: {  	_ =	sdelay $0x3  }
.LBB1_6:
0x3c: {  	_ =	sfence.sel $0x180000  }
0x3d: {  	s2 =	simm.s32 $0x1;
	[bflag:$0x0] =	sbarrier.arrive $0xFFFF  }
0x3e: {  	s31 =	simm.s32 $0x2;
	[sflag:s2] =	ssyncpa.u1 $0x1  }
0x3f: {  	[sflag:s31] =	ssyncpa.u1 $0x1  }
0x40: {  	p0 =	sne.s32 s0, $0x0;
	_ =	strace $0x9000004A  }
0x41: {  	s0 =	sadd.s32 @!p0 $0x100000, s1;
	[bflag:$0x2] =	sbarrier.arrive $0xFFFF  }
0x42: {  	[sflag:s0] =	ssyncadd.tile.s32 @!p0 $0x1;
	_ =	shalt  }
.Lfunc_end1:
_tile_overlayer_lowered:
.L_overlay_start_2:
0x43: {  	(tag) =	ssettag $0x2  }
0x44: {  	s0 =	rddreg [dreg:$0x0];
	s2 =	stileid.u32  }
0x45: {  	s1 =	rddreg [dreg:$0x1];
	p0 =	sne.s32 s2, $0x0  }
0x46: {  	s3 =	rddreg [dreg:$0x2];
	[bflag:$0x3] =	sbarrier.arrive $0xFFFF;
	s2 =	simm.s32 @!p0 $0x1C01  }
0x47: {  	[timem:s3], [sflag:s2] =	dma.local @!p0 [hbm:s0], s1  }
0x48: {  	s0 =	simm.s32 @!p0 $0x1  }
0x49: {  	_ =	swait.ge @!p0 [sflag:s0], s1  }
0x4a: {  	s1 =	ssub.s32 @!p0 $0x0, s1;
	[sflag:s0] =	ssyncset.done @!p0 $0x0  }
0x4b: {  	[sflag:s0] =	ssyncadd.s32 @!p0 s1  }
0x4c: {  	[bflag:$0x3] =	sbarrier.arrive $0xFFFF  }
0x4d: {  	_ =	shalt  }

</sc_bundles>
